<compile_context>
chip_gen: v7x
topology: tpu7x:2x2x1
jax: 0.10.2.dev20260603
libtpu: 0.0.44.dev20260713+nightly
codegen_flags: <defaults>
</compile_context>

<pallas_src>
import functools

import jax
import jax.numpy as jnp
from jax import lax
from jax.experimental import pallas as pl
from jax.experimental.pallas import tpu as pltpu

H = 16
K = 2
QB = 512
BM = 256
FC = 1024
RB = 256


def _ln(x, scale, bias):
  mu = jnp.mean(x, -1, keepdims=True)
  var = jnp.mean((x - mu) ** 2, -1, keepdims=True)
  return (x - mu) * lax.rsqrt(var + 1e-5) * scale + bias


def _ln_qkv_body(x_ref, s_ref, b_ref, w_ref, bias_ref, o_ref):
  h = _ln(x_ref[...], s_ref[...], b_ref[...])
  o_ref[...] = (
      jnp.dot(h, w_ref[...], preferred_element_type=jnp.float32) + bias_ref[...]
  )


def _attn_body(q_ref, k_ref, v_ref, o_ref, *, T, dh):
  i = pl.program_id(2)
  q = q_ref[0]
  k = k_ref[0]
  v = v_ref[0]
  s = lax.dot_general(q, k, (((1,), (1,)), ((), ())),
                      preferred_element_type=jnp.float32)
  s = s * (1.0 / jnp.sqrt(jnp.float32(dh)))
  qrow = i * QB + lax.broadcasted_iota(jnp.int32, (QB, T), 0)
  kcol = lax.broadcasted_iota(jnp.int32, (QB, T), 1)
  s = jnp.where(qrow >= kcol, s, jnp.float32(-1e9))
  m = jnp.max(s, -1, keepdims=True)
  p = jnp.exp(s - m)
  p = p / jnp.sum(p, -1, keepdims=True)
  o_ref[0] = jnp.dot(p, v, preferred_element_type=jnp.float32)


def _proj_ln2_body(a_ref, x_ref, wo_ref, bo_ref, s2_ref, b2_ref, wg_ref,
                   ao_ref, mi_ref, lg_ref):
  a = (jnp.dot(a_ref[...], wo_ref[...], preferred_element_type=jnp.float32)
       + bo_ref[...] + x_ref[...])
  ao_ref[...] = a
  h = _ln(a, s2_ref[...], b2_ref[...])
  mi_ref[...] = h
  lg_ref[...] = jnp.dot(h, wg_ref[...], preferred_element_type=jnp.float32)


def _moe_body(meta_ref, x_ref, w1_ref, b1_ref, w2_ref, b2_ref, o_ref):
  s = pl.program_id(0)
  f = pl.program_id(1)
  blk = meta_ref[0, s]
  e = meta_ref[1, s]
  first = meta_ref[2, s]
  active = meta_ref[3, s]

  @pl.when((first == 1) & (f == 0))
  def _():
    o_ref[...] = jnp.zeros_like(o_ref)

  @pl.when(active == 1)
  def _():
    xb = x_ref[...]
    h = jax.nn.gelu(
        jnp.dot(xb, w1_ref[0], preferred_element_type=jnp.float32)
        + b1_ref[0])
    c = jnp.dot(h, w2_ref[0], preferred_element_type=jnp.float32)
    c = c + jnp.where(f == 0, 1.0, 0.0) * b2_ref[0]
    start = meta_ref[4, e]
    end = meta_ref[4, e + 1]
    row = blk * BM + lax.broadcasted_iota(jnp.int32, (BM, 1), 0)
    mask = (row >= start) & (row < end)
    o_ref[...] += jnp.where(mask, c, 0.0)


def kernel(x, ln1_scale, ln1_bias, ln2_scale, ln2_bias, Wqkv, bqkv, Wo, bo,
           Wg, W1, b1, W2, b2):
  B, T, D = x.shape
  E, _, F = W1.shape
  dh = D // H
  N = B * T
  NK = N * K
  NB = NK // BM
  S = NB + E - 1
  NF = F // FC

  x2d = x.reshape(N, D)
  ln1s = ln1_scale.reshape(1, D)
  ln1b = ln1_bias.reshape(1, D)
  ln2s = ln2_scale.reshape(1, D)
  ln2b = ln2_bias.reshape(1, D)

  qkv = pl.pallas_call(
      _ln_qkv_body,
      grid=(N // RB,),
      in_specs=[
          pl.BlockSpec((RB, D), lambda i: (i, 0)),
          pl.BlockSpec((1, D), lambda i: (0, 0)),
          pl.BlockSpec((1, D), lambda i: (0, 0)),
          pl.BlockSpec((D, 3 * D), lambda i: (0, 0)),
          pl.BlockSpec((1, 3 * D), lambda i: (0, 0)),
      ],
      out_specs=pl.BlockSpec((RB, 3 * D), lambda i: (i, 0)),
      out_shape=jax.ShapeDtypeStruct((N, 3 * D), jnp.float32),
  )(x2d, ln1s, ln1b, Wqkv, bqkv.reshape(1, 3 * D))

  nq = T // QB
  qkv_t = qkv.reshape(N, 3 * H, dh).transpose(1, 0, 2)
  attn_t = pl.pallas_call(
      functools.partial(_attn_body, T=T, dh=dh),
      grid=(B, H, nq),
      in_specs=[
          pl.BlockSpec((1, QB, dh), lambda b, h, i: (h, b * (T // QB) + i, 0)),
          pl.BlockSpec((1, T, dh), lambda b, h, i: (H + h, b, 0)),
          pl.BlockSpec((1, T, dh), lambda b, h, i: (2 * H + h, b, 0)),
      ],
      out_specs=pl.BlockSpec(
          (1, QB, dh), lambda b, h, i: (h, b * (T // QB) + i, 0)),
      out_shape=jax.ShapeDtypeStruct((H, N, dh), jnp.float32),
      compiler_params=pltpu.CompilerParams(
          dimension_semantics=("arbitrary", "arbitrary", "arbitrary")),
  )(qkv_t, qkv_t, qkv_t)
  attn = attn_t.transpose(1, 0, 2).reshape(N, D)

  EP = 128
  wg_p = jnp.zeros((D, EP), jnp.float32).at[:, :E].set(Wg)
  attn_out, moe_in, logits_p = pl.pallas_call(
      _proj_ln2_body,
      grid=(N // RB,),
      in_specs=[
          pl.BlockSpec((RB, D), lambda i: (i, 0)),
          pl.BlockSpec((RB, D), lambda i: (i, 0)),
          pl.BlockSpec((D, D), lambda i: (0, 0)),
          pl.BlockSpec((1, D), lambda i: (0, 0)),
          pl.BlockSpec((1, D), lambda i: (0, 0)),
          pl.BlockSpec((1, D), lambda i: (0, 0)),
          pl.BlockSpec((D, EP), lambda i: (0, 0)),
      ],
      out_specs=[
          pl.BlockSpec((RB, D), lambda i: (i, 0)),
          pl.BlockSpec((RB, D), lambda i: (i, 0)),
          pl.BlockSpec((RB, EP), lambda i: (i, 0)),
      ],
      out_shape=[
          jax.ShapeDtypeStruct((N, D), jnp.float32),
          jax.ShapeDtypeStruct((N, D), jnp.float32),
          jax.ShapeDtypeStruct((N, EP), jnp.float32),
      ],
  )(attn, x2d, Wo, bo.reshape(1, D), ln2s, ln2b, wg_p)

  logits = logits_p[:, :E]

  topv, topi = lax.top_k(logits, K)
  w = jax.nn.softmax(topv, axis=-1)
  flat_e = topi.reshape(-1).astype(jnp.int32)
  onehot = (flat_e[:, None] == jnp.arange(E, dtype=jnp.int32)).astype(jnp.int32)
  incl = jnp.cumsum(onehot, axis=0)
  counts = incl[-1]
  offsets = jnp.concatenate(
      [jnp.zeros((1,), jnp.int32), jnp.cumsum(counts).astype(jnp.int32)])
  rank = jnp.take_along_axis(incl, flat_e[:, None], 1)[:, 0] - 1
  inv = offsets[flat_e] + rank
  order = jnp.zeros((NK,), jnp.int32).at[inv].set(
      jnp.arange(NK, dtype=jnp.int32))
  tok_order = order // K

  start_e = offsets[:E]
  end_e = offsets[1:]
  nonempty = counts > 0
  firstb = jnp.where(nonempty, start_e // BM, 0)
  lastb = jnp.where(nonempty, (end_e - 1) // BM, -1)
  nb_e = jnp.where(nonempty, lastb - firstb + 1, 0).astype(jnp.int32)
  pos = jnp.concatenate(
      [jnp.zeros((1,), jnp.int32), jnp.cumsum(nb_e).astype(jnp.int32)])
  P = pos[E]
  pair_block = jnp.full((S + 1,), NB - 1, jnp.int32)
  pair_expert = jnp.zeros((S + 1,), jnp.int32)
  jblk = jnp.arange(NB, dtype=jnp.int32)
  for e in range(E):
    slots = jnp.where(jblk < nb_e[e], pos[e] + jblk, S)
    pair_block = pair_block.at[slots].set(firstb[e] + jblk)
    pair_expert = pair_expert.at[slots].set(e)
  pair_block = pair_block.at[S - 1].set(
      jnp.where(P < S, NB - 1, pair_block[S - 1]))
  pair_block = pair_block[:S]
  pair_expert = pair_expert[:S]
  pair_block = jnp.where(jnp.arange(S) < P, pair_block, NB - 1)
  first_flag = jnp.concatenate(
      [jnp.ones((1,), jnp.int32),
       (pair_block[1:] != pair_block[:-1]).astype(jnp.int32)])
  active_flag = (jnp.arange(S, dtype=jnp.int32) < P).astype(jnp.int32)
  meta = jnp.zeros((5, 64), jnp.int32)
  meta = meta.at[0, :S].set(pair_block)
  meta = meta.at[1, :S].set(pair_expert)
  meta = meta.at[2, :S].set(first_flag)
  meta = meta.at[3, :S].set(active_flag)
  meta = meta.at[4, : E + 1].set(offsets)

  gathered = moe_in[tok_order]

  out_sorted = pl.pallas_call(
      _moe_body,
      grid_spec=pltpu.PrefetchScalarGridSpec(
          num_scalar_prefetch=1,
          grid=(S, NF),
          in_specs=[
              pl.BlockSpec((BM, D), lambda s, f, m: (m[0, s], 0)),
              pl.BlockSpec((1, D, FC), lambda s, f, m: (m[1, s], 0, f)),
              pl.BlockSpec((1, 1, FC), lambda s, f, m: (m[1, s], 0, f)),
              pl.BlockSpec((1, FC, D), lambda s, f, m: (m[1, s], f, 0)),
              pl.BlockSpec((1, 1, D), lambda s, f, m: (m[1, s], 0, 0)),
          ],
          out_specs=pl.BlockSpec((BM, D), lambda s, f, m: (m[0, s], 0)),
      ),
      out_shape=jax.ShapeDtypeStruct((NK, D), jnp.float32),
      compiler_params=pltpu.CompilerParams(
          dimension_semantics=("arbitrary", "arbitrary")),
  )(meta, gathered, W1, b1.reshape(E, 1, F), W2, b2.reshape(E, 1, D))

  out_perm = out_sorted[inv]
  out = (out_perm.reshape(N, K, D) * w.reshape(N, K, 1)).sum(axis=1) + attn_out
  return out.reshape(B, T, D)

# --- scband reference (transcript-rebuilt; emitter-appended) ---
"""Pipeline reference for scband-pipelined-mo-eblock-12395275616934 (READ-ONLY COPY).

The authoritative reference and input builder live on the scoring server;
editing this copy changes nothing except your own understanding.
"""

import jax, jax.numpy as jnp
import numpy as np

B, T, D, H, E, K, F = 2, 2048, 1024, 16, 8, 2, 4096

def setup_inputs(seed: int = 0):
    key = jax.random.key(seed)
    ks = jax.random.split(key, 8)
    s = 0.02
    return {
        "x": jax.random.normal(ks[0], (B, T, D), dtype=jnp.float32),
        "ln1_scale": jnp.ones((D,), jnp.float32),
        "ln1_bias": jnp.zeros((D,), jnp.float32),
        "ln2_scale": jnp.ones((D,), jnp.float32),
        "ln2_bias": jnp.zeros((D,), jnp.float32),
        "Wqkv": jax.random.normal(ks[1], (D, 3 * D), dtype=jnp.float32) * s,
        "bqkv": jnp.zeros((3 * D,), jnp.float32),
        "Wo": jax.random.normal(ks[2], (D, D), dtype=jnp.float32) * s,
        "bo": jnp.zeros((D,), jnp.float32),
        "Wg": jax.random.normal(ks[3], (D, E), dtype=jnp.float32) * s,
        "W1": jax.random.normal(ks[4], (E, D, F), dtype=jnp.float32) * s,
        "b1": jnp.zeros((E, F), jnp.float32),
        "W2": jax.random.normal(ks[5], (E, F, D), dtype=jnp.float32) * s,
        "b2": jnp.zeros((E, D), jnp.float32),
    }

def _layernorm(x, scale, bias, eps=1e-5):
    mu = x.mean(-1, keepdims=True)
    var = ((x - mu) ** 2).mean(-1, keepdims=True)
    return (x - mu) / jnp.sqrt(var + eps) * scale + bias

def _attention(h, Wqkv, bqkv, Wo, bo):
    Bc, Tc, Dm = h.shape
    dh = Dm // H
    qkv = h @ Wqkv + bqkv
    q, k, v = jnp.split(qkv, 3, axis=-1)
    def heads(t):
        return t.reshape(Bc, Tc, H, dh).transpose(0, 2, 1, 3)
    q, k, v = heads(q), heads(k), heads(v)
    scores = (q @ k.transpose(0, 1, 3, 2)) / jnp.sqrt(jnp.array(dh, jnp.float32))
    mask = jnp.tril(jnp.ones((Tc, Tc), bool))
    scores = jnp.where(mask, scores, jnp.float32(-1e9))
    a = jax.nn.softmax(scores, axis=-1)
    o = (a @ v).transpose(0, 2, 1, 3).reshape(Bc, Tc, Dm)
    return o @ Wo + bo

def _route(xf, Wg):
    # gate_and_sort: top-k gating then sort token-slots by destination expert
    logits = xf @ Wg
    topv, topi = jax.lax.top_k(logits, K)
    flat_e = topi.reshape(-1)
    N = xf.shape[0]
    tok = jnp.repeat(jnp.arange(N), K)
    order = jnp.argsort(flat_e)
    e_sorted = flat_e[order]
    inv = jnp.argsort(order)
    return {"topi": topi, "tok_order": tok[order], "e_sorted": e_sorted, "inv": inv}

def _moe(moe_in, Wg, W1, b1, W2, b2, r):
    Bc, Tc, Dm = moe_in.shape
    xf = moe_in.reshape(-1, Dm)
    logits = xf @ Wg
    topv = jnp.take_along_axis(logits, r["topi"], axis=1)
    w = jax.nn.softmax(topv, axis=-1)
    gathered = xf[r["tok_order"]]  # permuted tokens (dispatch_exchange is identity on 1 device)
    out_sorted = jnp.zeros((gathered.shape[0], Dm), gathered.dtype)
    for e in range(E):  # compute_experts on contiguous per-expert segments
        hh = jax.nn.gelu(gathered @ W1[e] + b1[e])
        cand = hh @ W2[e] + b2[e]
        out_sorted = jnp.where((r["e_sorted"] == e)[:, None], cand, out_sorted)
    out_perm = out_sorted[r["inv"]].reshape(-1, K, Dm)  # unpermute
    out = (out_perm * w[..., None]).sum(axis=1)  # weighted combine
    return out.reshape(Bc, Tc, Dm)

def reference(x, ln1_scale, ln1_bias, ln2_scale, ln2_bias, Wqkv, bqkv, Wo, bo, Wg, W1, b1, W2, b2):
    outs = []
    for c in jnp.split(x, 2, axis=0):  # two pipeline chunks along batch
        h = _layernorm(c, ln1_scale, ln1_bias)
        h = _attention(h, Wqkv, bqkv, Wo, bo)
        attn_out = h + c
        moe_in = _layernorm(attn_out, ln2_scale, ln2_bias)
        r = _route(moe_in.reshape(-1, moe_in.shape[-1]), Wg)
        outs.append(_moe(moe_in, Wg, W1, b1, W2, b2, r) + attn_out)
    return jnp.concatenate(outs, axis=0)

if __name__ == "__main__":
    import jax
    _d = setup_inputs()
    print(jax.jit(kernel)(*tuple(_d.values())))

</pallas_src>

<mosaic_0001>
module attributes {stable_mosaic.version = 14 : i64} {
  func.func @_ln_qkv_body(%arg0: i32, %arg1: memref<256x1024xf32, #tpu.memory_space<vmem>>, %arg2: memref<1x1024xf32, #tpu.memory_space<vmem>>, %arg3: memref<1x1024xf32, #tpu.memory_space<vmem>>, %arg4: memref<1024x3072xf32, #tpu.memory_space<vmem>>, %arg5: memref<1x3072xf32, #tpu.memory_space<vmem>>, %arg6: memref<256x3072xf32, #tpu.memory_space<vmem>>) attributes {dimension_semantics = [#tpu.dimension_semantics<arbitrary>], iteration_bounds = array<i64: 16>, scalar_prefetch = 0 : i64, scratch_operands = 0 : i64, tpu.core_type = #tpu.core_type<tc>, window_params = [{transform_indices = @transform_0, window_bounds = array<i64: 256, 1024>}, {pipeline_mode = #tpu.pipeline_mode<synchronous>, transform_indices = @transform_1, window_bounds = array<i64: 1, 1024>}, {pipeline_mode = #tpu.pipeline_mode<synchronous>, transform_indices = @transform_2, window_bounds = array<i64: 1, 1024>}, {pipeline_mode = #tpu.pipeline_mode<synchronous>, transform_indices = @transform_3, window_bounds = array<i64: 1024, 3072>}, {pipeline_mode = #tpu.pipeline_mode<synchronous>, transform_indices = @transform_4, window_bounds = array<i64: 1, 3072>}, {transform_indices = @transform_5, window_bounds = array<i64: 256, 3072>}]} {
    %get3A = arith.constant 0 : index
    %get3A_0 = arith.constant 0 : index
    %get3A_1 = vector.load %arg1[%get3A, %get3A_0] : memref<256x1024xf32, #tpu.memory_space<vmem>>, vector<256x1024xf32>
    %get3A_2 = arith.constant 0 : index
    %get3A_3 = arith.constant 0 : index
    %get3A_4 = vector.load %arg2[%get3A_2, %get3A_3] : memref<1x1024xf32, #tpu.memory_space<vmem>>, vector<1x1024xf32>
    %get3A_5 = arith.constant 0 : index
    %get3A_6 = arith.constant 0 : index
    %get3A_7 = vector.load %arg3[%get3A_5, %get3A_6] : memref<1x1024xf32, #tpu.memory_space<vmem>>, vector<1x1024xf32>
    %reduce_sum3A = arith.constant dense<0.000000e+00> : vector<256xf32>
    %reduce_sum3A_8 = vector.multi_reduction <add>, %get3A_1, %reduce_sum3A [1] : vector<256x1024xf32> to vector<256xf32>
    %broadcast_in_dim3A = vector.shape_cast %reduce_sum3A_8 : vector<256xf32> to vector<256x1xf32>
    %div3A = arith.constant 1.024000e+03 : f32
    %div3A_9 = vector.broadcast %div3A : f32 to vector<256x1xf32>
    %div3A_10 = arith.divf %broadcast_in_dim3A, %div3A_9 : vector<256x1xf32>
    %sub3A = vector.broadcast %div3A_10 : vector<256x1xf32> to vector<256x1024xf32>
    %sub3A_11 = arith.subf %get3A_1, %sub3A : vector<256x1024xf32>
    %integer_pow3A = arith.mulf %sub3A_11, %sub3A_11 : vector<256x1024xf32>
    %reduce_sum3A_12 = arith.constant dense<0.000000e+00> : vector<256xf32>
    %reduce_sum3A_13 = vector.multi_reduction <add>, %integer_pow3A, %reduce_sum3A_12 [1] : vector<256x1024xf32> to vector<256xf32>
    %broadcast_in_dim3A_14 = vector.shape_cast %reduce_sum3A_13 : vector<256xf32> to vector<256x1xf32>
    %div3A_15 = arith.constant 1.024000e+03 : f32
    %div3A_16 = vector.broadcast %div3A_15 : f32 to vector<256x1xf32>
    %div3A_17 = arith.divf %broadcast_in_dim3A_14, %div3A_16 : vector<256x1xf32>
    %sub3A_18 = vector.broadcast %div3A_10 : vector<256x1xf32> to vector<256x1024xf32>
    %sub3A_19 = arith.subf %get3A_1, %sub3A_18 : vector<256x1024xf32>
    %add3A = arith.constant 9.99999974E-6 : f32
    %add3A_20 = vector.broadcast %add3A : f32 to vector<256x1xf32>
    %add3A_21 = arith.addf %div3A_17, %add3A_20 : vector<256x1xf32>
    %rsqrt3A = math.rsqrt %add3A_21 : vector<256x1xf32>
    %mul3A = vector.broadcast %rsqrt3A : vector<256x1xf32> to vector<256x1024xf32>
    %mul3A_22 = arith.mulf %sub3A_19, %mul3A : vector<256x1024xf32>
    %mul3A_23 = vector.broadcast %get3A_4 : vector<1x1024xf32> to vector<256x1024xf32>
    %mul3A_24 = arith.mulf %mul3A_22, %mul3A_23 : vector<256x1024xf32>
    %add3A_25 = vector.broadcast %get3A_7 : vector<1x1024xf32> to vector<256x1024xf32>
    %add3A_26 = arith.addf %mul3A_24, %add3A_25 : vector<256x1024xf32>
    %get3A_27 = arith.constant 0 : index
    %get3A_28 = arith.constant 0 : index
    %get3A_29 = vector.load %arg4[%get3A_27, %get3A_28] : memref<1024x3072xf32, #tpu.memory_space<vmem>>, vector<1024x3072xf32>
    %dot_general3A = arith.constant dense<0.000000e+00> : vector<256x3072xf32>
    %dot_general3A_30 = tpu.matmul %add3A_26, %get3A_29, %dot_general3A {dimension_numbers = #tpu.dot_dimension_numbers<[1], [0], [0], [1], [0, 0, 1, 1], [], []>, transpose_lhs_hint = false} : vector<256x1024xf32>, vector<1024x3072xf32>, vector<256x3072xf32> -> vector<256x3072xf32>
    %get3A_31 = arith.constant 0 : index
    %get3A_32 = arith.constant 0 : index
    %get3A_33 = vector.load %arg5[%get3A_31, %get3A_32] : memref<1x3072xf32, #tpu.memory_space<vmem>>, vector<1x3072xf32>
    %add3A_34 = vector.broadcast %get3A_33 : vector<1x3072xf32> to vector<256x3072xf32>
    %add3A_35 = arith.addf %dot_general3A_30, %add3A_34 : vector<256x3072xf32>
    %swap3A = arith.constant 0 : index
    %swap3A_36 = arith.constant 0 : index
    %swap3A_37 = vector.load %arg6[%swap3A, %swap3A_36] : memref<256x3072xf32, #tpu.memory_space<vmem>>, vector<256x3072xf32>
    tpu.vector_store %arg6[%swap3A, %swap3A_36], %add3A_35 {strides = array<i32>} : memref<256x3072xf32, #tpu.memory_space<vmem>>, vector<256x3072xf32>,
    return
  }
  func.func @transform_0(%arg0: i32) -> (i32, i32) {
    %c0_i32 = arith.constant 0 : i32
    %c0_i32_0 = arith.constant 0 : i32
    return %arg0, %c0_i32 : i32, i32
  }
  func.func @transform_1(%arg0: i32) -> (i32, i32) {
    %c0_i32 = arith.constant 0 : i32
    %c0_i32_0 = arith.constant 0 : i32
    %c0_i32_1 = arith.constant 0 : i32
    return %c0_i32, %c0_i32_0 : i32, i32
  }
  func.func @transform_2(%arg0: i32) -> (i32, i32) {
    %c0_i32 = arith.constant 0 : i32
    %c0_i32_0 = arith.constant 0 : i32
    %c0_i32_1 = arith.constant 0 : i32
    return %c0_i32, %c0_i32_0 : i32, i32
  }
  func.func @transform_3(%arg0: i32) -> (i32, i32) {
    %c0_i32 = arith.constant 0 : i32
    %c0_i32_0 = arith.constant 0 : i32
    %c0_i32_1 = arith.constant 0 : i32
    return %c0_i32, %c0_i32_0 : i32, i32
  }
  func.func @transform_4(%arg0: i32) -> (i32, i32) {
    %c0_i32 = arith.constant 0 : i32
    %c0_i32_0 = arith.constant 0 : i32
    %c0_i32_1 = arith.constant 0 : i32
    return %c0_i32, %c0_i32_0 : i32, i32
  }
  func.func @transform_5(%arg0: i32) -> (i32, i32) {
    %c0_i32 = arith.constant 0 : i32
    %c0_i32_0 = arith.constant 0 : i32
    return %arg0, %c0_i32 : i32, i32
  }
}

module attributes {stable_mosaic.version = 14 : i64} {
  func.func @_attn_body(%arg0: i32, %arg1: i32, %arg2: i32, %arg3: memref<1x512x64xf32, #tpu.memory_space<vmem>>, %arg4: memref<1x2048x64xf32, #tpu.memory_space<vmem>>, %arg5: memref<1x2048x64xf32, #tpu.memory_space<vmem>>, %arg6: memref<1x512x64xf32, #tpu.memory_space<vmem>>) attributes {dimension_semantics = [#tpu.dimension_semantics<arbitrary>, #tpu.dimension_semantics<arbitrary>, #tpu.dimension_semantics<arbitrary>], iteration_bounds = array<i64: 2, 16, 4>, scalar_prefetch = 0 : i64, scratch_operands = 0 : i64, tpu.core_type = #tpu.core_type<tc>, window_params = [{transform_indices = @transform_0, window_bounds = array<i64: 1, 512, 64>}, {transform_indices = @transform_1, window_bounds = array<i64: 1, 2048, 64>}, {transform_indices = @transform_2, window_bounds = array<i64: 1, 2048, 64>}, {transform_indices = @transform_3, window_bounds = array<i64: 1, 512, 64>}]} {
    %get3A = arith.constant 0 : index
    %get3A_0 = arith.constant 0 : index
    %get3A_1 = arith.constant 0 : index
    %get3A_2 = vector.load %arg3[%get3A, %get3A_0, %get3A_1] : memref<1x512x64xf32, #tpu.memory_space<vmem>>, vector<1x512x64xf32>
    %get3A_3 = vector.shape_cast %get3A_2 : vector<1x512x64xf32> to vector<512x64xf32>
    %get3A_4 = arith.constant 0 : index
    %get3A_5 = arith.constant 0 : index
    %get3A_6 = arith.constant 0 : index
    %get3A_7 = vector.load %arg4[%get3A_4, %get3A_5, %get3A_6] : memref<1x2048x64xf32, #tpu.memory_space<vmem>>, vector<1x2048x64xf32>
    %get3A_8 = vector.shape_cast %get3A_7 : vector<1x2048x64xf32> to vector<2048x64xf32>
    %get3A_9 = arith.constant 0 : index
    %get3A_10 = arith.constant 0 : index
    %get3A_11 = arith.constant 0 : index
    %get3A_12 = vector.load %arg5[%get3A_9, %get3A_10, %get3A_11] : memref<1x2048x64xf32, #tpu.memory_space<vmem>>, vector<1x2048x64xf32>
    %get3A_13 = vector.shape_cast %get3A_12 : vector<1x2048x64xf32> to vector<2048x64xf32>
    %dot_general3A = arith.constant dense<0.000000e+00> : vector<512x2048xf32>
    %dot_general3A_14 = tpu.matmul %get3A_3, %get3A_8, %dot_general3A {dimension_numbers = #tpu.dot_dimension_numbers<[1], [1], [0], [0], [0, 0, 1, 0], [], []>, transpose_lhs_hint = false} : vector<512x64xf32>, vector<2048x64xf32>, vector<512x2048xf32> -> vector<512x2048xf32>
    %sqrt3A = arith.constant 6.400000e+01 : f32
    %sqrt3A_15 = math.sqrt %sqrt3A : f32
    %div3A = arith.constant 1.000000e+00 : f32
    %div3A_16 = arith.divf %div3A, %sqrt3A_15 : f32
    %mul3A = vector.broadcast %div3A_16 : f32 to vector<512x2048xf32>
    %mul3A_17 = arith.mulf %dot_general3A_14, %mul3A : vector<512x2048xf32>
    %mul3A_18 = arith.constant 512 : i32
    %mul3A_19 = arith.muli %arg2, %mul3A_18 : i32
    %iota3A = tpu.iota {dimensions = array<i32: 0>} : vector<512x2048xi32>
    %add3A = vector.broadcast %mul3A_19 : i32 to vector<512x2048xi32>
    %add3A_20 = arith.addi %add3A, %iota3A : vector<512x2048xi32>
    %iota3A_21 = tpu.iota {dimensions = array<i32: 1>} : vector<512x2048xi32>
    %ge3A = arith.cmpi sge, %add3A_20, %iota3A_21 : vector<512x2048xi32>
    %jit3A = arith.constant -1.000000e+09 : f32
    %broadcast_in_dim3A = vector.broadcast %jit3A : f32 to vector<512x2048xf32>
    %select_n3A = arith.select %ge3A, %mul3A_17, %broadcast_in_dim3A : vector<512x2048xi1>, vector<512x2048xf32>
    %reduce_max3A = arith.constant dense<0xFF800000> : vector<512xf32>
    %reduce_max3A_22 = vector.multi_reduction <maximumf>, %select_n3A, %reduce_max3A [1] : vector<512x2048xf32> to vector<512xf32>
    %broadcast_in_dim3A_23 = vector.shape_cast %reduce_max3A_22 : vector<512xf32> to vector<512x1xf32>
    %sub3A = vector.broadcast %broadcast_in_dim3A_23 : vector<512x1xf32> to vector<512x2048xf32>
    %sub3A_24 = arith.subf %select_n3A, %sub3A : vector<512x2048xf32>
    %exp3A = math.exp %sub3A_24 : vector<512x2048xf32>
    %reduce_sum3A = arith.constant dense<0.000000e+00> : vector<512xf32>
    %reduce_sum3A_25 = vector.multi_reduction <add>, %exp3A, %reduce_sum3A [1] : vector<512x2048xf32> to vector<512xf32>
    %broadcast_in_dim3A_26 = vector.shape_cast %reduce_sum3A_25 : vector<512xf32> to vector<512x1xf32>
    %div3A_27 = vector.broadcast %broadcast_in_dim3A_26 : vector<512x1xf32> to vector<512x2048xf32>
    %div3A_28 = arith.divf %exp3A, %div3A_27 : vector<512x2048xf32>
    %dot_general3A_29 = arith.constant dense<0.000000e+00> : vector<512x64xf32>
    %dot_general3A_30 = tpu.matmul %div3A_28, %get3A_13, %dot_general3A_29 {dimension_numbers = #tpu.dot_dimension_numbers<[1], [0], [0], [1], [0, 0, 1, 1], [], []>, transpose_lhs_hint = false} : vector<512x2048xf32>, vector<2048x64xf32>, vector<512x64xf32> -> vector<512x64xf32>
    %swap3A = arith.constant 0 : index
    %swap3A_31 = arith.constant 0 : index
    %swap3A_32 = arith.constant 0 : index
    %swap3A_33 = vector.load %arg6[%swap3A, %swap3A_31, %swap3A_32] : memref<1x512x64xf32, #tpu.memory_space<vmem>>, vector<1x512x64xf32>
    %swap3A_34 = vector.shape_cast %swap3A_33 : vector<1x512x64xf32> to vector<512x64xf32>
    %swap3A_35 = vector.shape_cast %dot_general3A_30 : vector<512x64xf32> to vector<1x512x64xf32>
    tpu.vector_store %arg6[%swap3A, %swap3A_31, %swap3A_32], %swap3A_35 {strides = array<i32>} : memref<1x512x64xf32, #tpu.memory_space<vmem>>, vector<1x512x64xf32>,
    return
  }
  func.func @transform_0(%arg0: i32, %arg1: i32, %arg2: i32) -> (i32, i32, i32) {
    %mul3A = arith.constant 4 : i32
    %mul3A_0 = arith.muli %arg0, %mul3A : i32
    %add3A = arith.addi %mul3A_0, %arg2 : i32
    %c0_i32 = arith.constant 0 : i32
    %c0_i32_1 = arith.constant 0 : i32
    return %arg1, %add3A, %c0_i32 : i32, i32, i32
  }
  func.func @transform_1(%arg0: i32, %arg1: i32, %arg2: i32) -> (i32, i32, i32) {
    %add3A = arith.constant 16 : i32
    %add3A_0 = arith.addi %add3A, %arg1 : i32
    %c0_i32 = arith.constant 0 : i32
    %c0_i32_1 = arith.constant 0 : i32
    return %add3A_0, %arg0, %c0_i32 : i32, i32, i32
  }
  func.func @transform_2(%arg0: i32, %arg1: i32, %arg2: i32) -> (i32, i32, i32) {
    %add3A = arith.constant 32 : i32
    %add3A_0 = arith.addi %add3A, %arg1 : i32
    %c0_i32 = arith.constant 0 : i32
    %c0_i32_1 = arith.constant 0 : i32
    return %add3A_0, %arg0, %c0_i32 : i32, i32, i32
  }
  func.func @transform_3(%arg0: i32, %arg1: i32, %arg2: i32) -> (i32, i32, i32) {
    %mul3A = arith.constant 4 : i32
    %mul3A_0 = arith.muli %arg0, %mul3A : i32
    %add3A = arith.addi %mul3A_0, %arg2 : i32
    %c0_i32 = arith.constant 0 : i32
    %c0_i32_1 = arith.constant 0 : i32
    return %arg1, %add3A, %c0_i32 : i32, i32, i32
  }
}

module attributes {stable_mosaic.version = 14 : i64} {
  func.func @_proj_ln2_body(%arg0: i32, %arg1: memref<256x1024xf32, #tpu.memory_space<vmem>>, %arg2: memref<256x1024xf32, #tpu.memory_space<vmem>>, %arg3: memref<1024x1024xf32, #tpu.memory_space<vmem>>, %arg4: memref<1x1024xf32, #tpu.memory_space<vmem>>, %arg5: memref<1x1024xf32, #tpu.memory_space<vmem>>, %arg6: memref<1x1024xf32, #tpu.memory_space<vmem>>, %arg7: memref<1024x128xf32, #tpu.memory_space<vmem>>, %arg8: memref<256x1024xf32, #tpu.memory_space<vmem>>, %arg9: memref<256x1024xf32, #tpu.memory_space<vmem>>, %arg10: memref<256x128xf32, #tpu.memory_space<vmem>>) attributes {dimension_semantics = [#tpu.dimension_semantics<arbitrary>], iteration_bounds = array<i64: 16>, scalar_prefetch = 0 : i64, scratch_operands = 0 : i64, tpu.core_type = #tpu.core_type<tc>, window_params = [{transform_indices = @transform_0, window_bounds = array<i64: 256, 1024>}, {transform_indices = @transform_1, window_bounds = array<i64: 256, 1024>}, {pipeline_mode = #tpu.pipeline_mode<synchronous>, transform_indices = @transform_2, window_bounds = array<i64: 1024, 1024>}, {pipeline_mode = #tpu.pipeline_mode<synchronous>, transform_indices = @transform_3, window_bounds = array<i64: 1, 1024>}, {pipeline_mode = #tpu.pipeline_mode<synchronous>, transform_indices = @transform_4, window_bounds = array<i64: 1, 1024>}, {pipeline_mode = #tpu.pipeline_mode<synchronous>, transform_indices = @transform_5, window_bounds = array<i64: 1, 1024>}, {pipeline_mode = #tpu.pipeline_mode<synchronous>, transform_indices = @transform_6, window_bounds = array<i64: 1024, 128>}, {transform_indices = @transform_7, window_bounds = array<i64: 256, 1024>}, {transform_indices = @transform_8, window_bounds = array<i64: 256, 1024>}, {transform_indices = @transform_9, window_bounds = array<i64: 256, 128>}]} {
    %get3A = arith.constant 0 : index
    %get3A_0 = arith.constant 0 : index
    %get3A_1 = vector.load %arg1[%get3A, %get3A_0] : memref<256x1024xf32, #tpu.memory_space<vmem>>, vector<256x1024xf32>
    %get3A_2 = arith.constant 0 : index
    %get3A_3 = arith.constant 0 : index
    %get3A_4 = vector.load %arg3[%get3A_2, %get3A_3] : memref<1024x1024xf32, #tpu.memory_space<vmem>>, vector<1024x1024xf32>
    %dot_general3A = arith.constant dense<0.000000e+00> : vector<256x1024xf32>
    %dot_general3A_5 = tpu.matmul %get3A_1, %get3A_4, %dot_general3A {dimension_numbers = #tpu.dot_dimension_numbers<[1], [0], [0], [1], [0, 0, 1, 1], [], []>, transpose_lhs_hint = false} : vector<256x1024xf32>, vector<1024x1024xf32>, vector<256x1024xf32> -> vector<256x1024xf32>
    %get3A_6 = arith.constant 0 : index
    %get3A_7 = arith.constant 0 : index
    %get3A_8 = vector.load %arg4[%get3A_6, %get3A_7] : memref<1x1024xf32, #tpu.memory_space<vmem>>, vector<1x1024xf32>
    %add3A = vector.broadcast %get3A_8 : vector<1x1024xf32> to vector<256x1024xf32>
    %add3A_9 = arith.addf %dot_general3A_5, %add3A : vector<256x1024xf32>
    %get3A_10 = arith.constant 0 : index
    %get3A_11 = arith.constant 0 : index
    %get3A_12 = vector.load %arg2[%get3A_10, %get3A_11] : memref<256x1024xf32, #tpu.memory_space<vmem>>, vector<256x1024xf32>
    %add3A_13 = arith.addf %add3A_9, %get3A_12 : vector<256x1024xf32>
    %swap3A = arith.constant 0 : index
    %swap3A_14 = arith.constant 0 : index
    %swap3A_15 = vector.load %arg8[%swap3A, %swap3A_14] : memref<256x1024xf32, #tpu.memory_space<vmem>>, vector<256x1024xf32>
    tpu.vector_store %arg8[%swap3A, %swap3A_14], %add3A_13 {strides = array<i32>} : memref<256x1024xf32, #tpu.memory_space<vmem>>, vector<256x1024xf32>,
    %get3A_16 = arith.constant 0 : index
    %get3A_17 = arith.constant 0 : index
    %get3A_18 = vector.load %arg5[%get3A_16, %get3A_17] : memref<1x1024xf32, #tpu.memory_space<vmem>>, vector<1x1024xf32>
    %get3A_19 = arith.constant 0 : index
    %get3A_20 = arith.constant 0 : index
    %get3A_21 = vector.load %arg6[%get3A_19, %get3A_20] : memref<1x1024xf32, #tpu.memory_space<vmem>>, vector<1x1024xf32>
    %reduce_sum3A = arith.constant dense<0.000000e+00> : vector<256xf32>
    %reduce_sum3A_22 = vector.multi_reduction <add>, %add3A_13, %reduce_sum3A [1] : vector<256x1024xf32> to vector<256xf32>
    %broadcast_in_dim3A = vector.shape_cast %reduce_sum3A_22 : vector<256xf32> to vector<256x1xf32>
    %div3A = arith.constant 1.024000e+03 : f32
    %div3A_23 = vector.broadcast %div3A : f32 to vector<256x1xf32>
    %div3A_24 = arith.divf %broadcast_in_dim3A, %div3A_23 : vector<256x1xf32>
    %sub3A = vector.broadcast %div3A_24 : vector<256x1xf32> to vector<256x1024xf32>
    %sub3A_25 = arith.subf %add3A_13, %sub3A : vector<256x1024xf32>
    %integer_pow3A = arith.mulf %sub3A_25, %sub3A_25 : vector<256x1024xf32>
    %reduce_sum3A_26 = arith.constant dense<0.000000e+00> : vector<256xf32>
    %reduce_sum3A_27 = vector.multi_reduction <add>, %integer_pow3A, %reduce_sum3A_26 [1] : vector<256x1024xf32> to vector<256xf32>
    %broadcast_in_dim3A_28 = vector.shape_cast %reduce_sum3A_27 : vector<256xf32> to vector<256x1xf32>
    %div3A_29 = arith.constant 1.024000e+03 : f32
    %div3A_30 = vector.broadcast %div3A_29 : f32 to vector<256x1xf32>
    %div3A_31 = arith.divf %broadcast_in_dim3A_28, %div3A_30 : vector<256x1xf32>
    %sub3A_32 = vector.broadcast %div3A_24 : vector<256x1xf32> to vector<256x1024xf32>
    %sub3A_33 = arith.subf %add3A_13, %sub3A_32 : vector<256x1024xf32>
    %add3A_34 = arith.constant 9.99999974E-6 : f32
    %add3A_35 = vector.broadcast %add3A_34 : f32 to vector<256x1xf32>
    %add3A_36 = arith.addf %div3A_31, %add3A_35 : vector<256x1xf32>
    %rsqrt3A = math.rsqrt %add3A_36 : vector<256x1xf32>
    %mul3A = vector.broadcast %rsqrt3A : vector<256x1xf32> to vector<256x1024xf32>
    %mul3A_37 = arith.mulf %sub3A_33, %mul3A : vector<256x1024xf32>
    %mul3A_38 = vector.broadcast %get3A_18 : vector<1x1024xf32> to vector<256x1024xf32>
    %mul3A_39 = arith.mulf %mul3A_37, %mul3A_38 : vector<256x1024xf32>
    %add3A_40 = vector.broadcast %get3A_21 : vector<1x1024xf32> to vector<256x1024xf32>
    %add3A_41 = arith.addf %mul3A_39, %add3A_40 : vector<256x1024xf32>
    %swap3A_42 = arith.constant 0 : index
    %swap3A_43 = arith.constant 0 : index
    %swap3A_44 = vector.load %arg9[%swap3A_42, %swap3A_43] : memref<256x1024xf32, #tpu.memory_space<vmem>>, vector<256x1024xf32>
    tpu.vector_store %arg9[%swap3A_42, %swap3A_43], %add3A_41 {strides = array<i32>} : memref<256x1024xf32, #tpu.memory_space<vmem>>, vector<256x1024xf32>,
    %get3A_45 = arith.constant 0 : index
    %get3A_46 = arith.constant 0 : index
    %get3A_47 = vector.load %arg7[%get3A_45, %get3A_46] : memref<1024x128xf32, #tpu.memory_space<vmem>>, vector<1024x128xf32>
    %dot_general3A_48 = arith.constant dense<0.000000e+00> : vector<256x128xf32>
    %dot_general3A_49 = tpu.matmul %add3A_41, %get3A_47, %dot_general3A_48 {dimension_numbers = #tpu.dot_dimension_numbers<[1], [0], [0], [1], [0, 0, 1, 1], [], []>, transpose_lhs_hint = false} : vector<256x1024xf32>, vector<1024x128xf32>, vector<256x128xf32> -> vector<256x128xf32>
    %swap3A_50 = arith.constant 0 : index
    %swap3A_51 = arith.constant 0 : index
    %swap3A_52 = vector.load %arg10[%swap3A_50, %swap3A_51] : memref<256x128xf32, #tpu.memory_space<vmem>>, vector<256x128xf32>
    tpu.vector_store %arg10[%swap3A_50, %swap3A_51], %dot_general3A_49 {strides = array<i32>} : memref<256x128xf32, #tpu.memory_space<vmem>>, vector<256x128xf32>,
    return
  }
  func.func @transform_0(%arg0: i32) -> (i32, i32) {
    %c0_i32 = arith.constant 0 : i32
    %c0_i32_0 = arith.constant 0 : i32
    return %arg0, %c0_i32 : i32, i32
  }
  func.func @transform_1(%arg0: i32) -> (i32, i32) {
    %c0_i32 = arith.constant 0 : i32
    %c0_i32_0 = arith.constant 0 : i32
    return %arg0, %c0_i32 : i32, i32
  }
  func.func @transform_2(%arg0: i32) -> (i32, i32) {
    %c0_i32 = arith.constant 0 : i32
    %c0_i32_0 = arith.constant 0 : i32
    %c0_i32_1 = arith.constant 0 : i32
    return %c0_i32, %c0_i32_0 : i32, i32
  }
  func.func @transform_3(%arg0: i32) -> (i32, i32) {
    %c0_i32 = arith.constant 0 : i32
    %c0_i32_0 = arith.constant 0 : i32
    %c0_i32_1 = arith.constant 0 : i32
    return %c0_i32, %c0_i32_0 : i32, i32
  }
  func.func @transform_4(%arg0: i32) -> (i32, i32) {
    %c0_i32 = arith.constant 0 : i32
    %c0_i32_0 = arith.constant 0 : i32
    %c0_i32_1 = arith.constant 0 : i32
    return %c0_i32, %c0_i32_0 : i32, i32
  }
  func.func @transform_5(%arg0: i32) -> (i32, i32) {
    %c0_i32 = arith.constant 0 : i32
    %c0_i32_0 = arith.constant 0 : i32
    %c0_i32_1 = arith.constant 0 : i32
    return %c0_i32, %c0_i32_0 : i32, i32
  }
  func.func @transform_6(%arg0: i32) -> (i32, i32) {
    %c0_i32 = arith.constant 0 : i32
    %c0_i32_0 = arith.constant 0 : i32
    %c0_i32_1 = arith.constant 0 : i32
    return %c0_i32, %c0_i32_0 : i32, i32
  }
  func.func @transform_7(%arg0: i32) -> (i32, i32) {
    %c0_i32 = arith.constant 0 : i32
    %c0_i32_0 = arith.constant 0 : i32
    return %arg0, %c0_i32 : i32, i32
  }
  func.func @transform_8(%arg0: i32) -> (i32, i32) {
    %c0_i32 = arith.constant 0 : i32
    %c0_i32_0 = arith.constant 0 : i32
    return %arg0, %c0_i32 : i32, i32
  }
  func.func @transform_9(%arg0: i32) -> (i32, i32) {
    %c0_i32 = arith.constant 0 : i32
    %c0_i32_0 = arith.constant 0 : i32
    return %arg0, %c0_i32 : i32, i32
  }
}

module attributes {stable_mosaic.version = 14 : i64} {
  func.func @_moe_body(%arg0: i32, %arg1: i32, %arg2: memref<5x64xi32, #tpu.memory_space<smem>>, %arg3: memref<256x1024xf32, #tpu.memory_space<vmem>>, %arg4: memref<1x1024x1024xf32, #tpu.memory_space<vmem>>, %arg5: memref<1x1x1024xf32, #tpu.memory_space<vmem>>, %arg6: memref<1x1024x1024xf32, #tpu.memory_space<vmem>>, %arg7: memref<1x1x1024xf32, #tpu.memory_space<vmem>>, %arg8: memref<256x1024xf32, #tpu.memory_space<vmem>>) attributes {dimension_semantics = [#tpu.dimension_semantics<arbitrary>, #tpu.dimension_semantics<arbitrary>], iteration_bounds = array<i64: 39, 4>, scalar_prefetch = 1 : i64, scratch_operands = 0 : i64, tpu.core_type = #tpu.core_type<tc>, window_params = [{transform_indices = @transform_0, window_bounds = array<i64: 256, 1024>}, {transform_indices = @transform_1, window_bounds = array<i64: 1, 1024, 1024>}, {transform_indices = @transform_2, window_bounds = array<i64: 1, 1, 1024>}, {transform_indices = @transform_3, window_bounds = array<i64: 1, 1024, 1024>}, {transform_indices = @transform_4, window_bounds = array<i64: 1, 1, 1024>}, {transform_indices = @transform_5, window_bounds = array<i64: 256, 1024>}]} {
    %get3A = arith.constant 0 : index
    %get3A_0 = arith.index_cast %arg0 : i32 to index
    %get3A_1 = memref.load %arg2[%get3A, %get3A_0] : memref<5x64xi32, #tpu.memory_space<smem>>
    %get3A_2 = arith.constant 1 : index
    %get3A_3 = arith.index_cast %arg0 : i32 to index
    %get3A_4 = memref.load %arg2[%get3A_2, %get3A_3] : memref<5x64xi32, #tpu.memory_space<smem>>
    %get3A_5 = arith.constant 2 : index
    %get3A_6 = arith.index_cast %arg0 : i32 to index
    %get3A_7 = memref.load %arg2[%get3A_5, %get3A_6] : memref<5x64xi32, #tpu.memory_space<smem>>
    %get3A_8 = arith.constant 3 : index
    %get3A_9 = arith.index_cast %arg0 : i32 to index
    %get3A_10 = memref.load %arg2[%get3A_8, %get3A_9] : memref<5x64xi32, #tpu.memory_space<smem>>
    %eq3A = arith.constant 1 : i32
    %eq3A_11 = arith.cmpi eq, %get3A_7, %eq3A : i32
    %eq3A_12 = arith.constant 0 : i32
    %eq3A_13 = arith.cmpi eq, %arg1, %eq3A_12 : i32
    %and3A = arith.andi %eq3A_11, %eq3A_13 : i1
    %convert_element_type3A = arith.extui %and3A : i1 to i32
    %cond3A = arith.constant 0 : i32
    %cond3A_14 = arith.cmpi ne, %convert_element_type3A, %cond3A : i32
    scf.if %cond3A_14 {
      %broadcast_in_dim3A = arith.constant 0.000000e+00 : f32
      %broadcast_in_dim3A_20 = vector.broadcast %broadcast_in_dim3A : f32 to vector<256x1024xf32>
      %swap3A = arith.constant 0 : index
      %swap3A_21 = arith.constant 0 : index
      %swap3A_22 = vector.load %arg8[%swap3A, %swap3A_21] : memref<256x1024xf32, #tpu.memory_space<vmem>>, vector<256x1024xf32>
      tpu.vector_store %arg8[%swap3A, %swap3A_21], %broadcast_in_dim3A_20 {strides = array<i32>} : memref<256x1024xf32, #tpu.memory_space<vmem>>, vector<256x1024xf32>,
    } else {
    }
    %eq3A_15 = arith.constant 1 : i32
    %eq3A_16 = arith.cmpi eq, %get3A_10, %eq3A_15 : i32
    %convert_element_type3A_17 = arith.extui %eq3A_16 : i1 to i32
    %cond3A_18 = arith.constant 0 : i32
    %cond3A_19 = arith.cmpi ne, %convert_element_type3A_17, %cond3A_18 : i32
    scf.if %cond3A_19 {
      %get3A_20 = arith.constant 0 : index
      %get3A_21 = arith.constant 0 : index
      %get3A_22 = vector.load %arg3[%get3A_20, %get3A_21] : memref<256x1024xf32, #tpu.memory_space<vmem>>, vector<256x1024xf32>
      %get3A_23 = arith.constant 0 : index
      %get3A_24 = arith.constant 0 : index
      %get3A_25 = arith.constant 0 : index
      %get3A_26 = vector.load %arg4[%get3A_23, %get3A_24, %get3A_25] : memref<1x1024x1024xf32, #tpu.memory_space<vmem>>, vector<1x1024x1024xf32>
      %get3A_27 = vector.shape_cast %get3A_26 : vector<1x1024x1024xf32> to vector<1024x1024xf32>
      %dot_general3A = arith.constant dense<0.000000e+00> : vector<256x1024xf32>
      %dot_general3A_28 = tpu.matmul %get3A_22, %get3A_27, %dot_general3A {dimension_numbers = #tpu.dot_dimension_numbers<[1], [0], [0], [1], [0, 0, 1, 1], [], []>, transpose_lhs_hint = false} : vector<256x1024xf32>, vector<1024x1024xf32>, vector<256x1024xf32> -> vector<256x1024xf32>
      %get3A_29 = arith.constant 0 : index
      %get3A_30 = arith.constant 0 : index
      %get3A_31 = arith.constant 0 : index
      %get3A_32 = vector.load %arg5[%get3A_29, %get3A_30, %get3A_31] : memref<1x1x1024xf32, #tpu.memory_space<vmem>>, vector<1x1x1024xf32>
      %get3A_33 = vector.shape_cast %get3A_32 : vector<1x1x1024xf32> to vector<1x1024xf32>
      %add3A = vector.broadcast %get3A_33 : vector<1x1024xf32> to vector<256x1024xf32>
      %add3A_34 = arith.addf %dot_general3A_28, %add3A : vector<256x1024xf32>
      %integer_pow3A = arith.mulf %add3A_34, %add3A_34 : vector<256x1024xf32>
      %integer_pow3A_35 = arith.mulf %add3A_34, %integer_pow3A : vector<256x1024xf32>
      %mul3A = arith.constant 4.471500e-02 : f32
      %mul3A_36 = vector.broadcast %mul3A : f32 to vector<256x1024xf32>
      %mul3A_37 = arith.mulf %mul3A_36, %integer_pow3A_35 : vector<256x1024xf32>
      %add3A_38 = arith.addf %add3A_34, %mul3A_37 : vector<256x1024xf32>
      %mul3A_39 = arith.constant 0.797884583 : f32
      %mul3A_40 = vector.broadcast %mul3A_39 : f32 to vector<256x1024xf32>
      %mul3A_41 = arith.mulf %mul3A_40, %add3A_38 : vector<256x1024xf32>
      %tanh3A = math.tanh %mul3A_41 : vector<256x1024xf32>
      %add3A_42 = arith.constant 1.000000e+00 : f32
      %add3A_43 = vector.broadcast %add3A_42 : f32 to vector<256x1024xf32>
      %add3A_44 = arith.addf %add3A_43, %tanh3A : vector<256x1024xf32>
      %mul3A_45 = arith.constant 5.000000e-01 : f32
      %mul3A_46 = vector.broadcast %mul3A_45 : f32 to vector<256x1024xf32>
      %mul3A_47 = arith.mulf %mul3A_46, %add3A_44 : vector<256x1024xf32>
      %mul3A_48 = arith.mulf %add3A_34, %mul3A_47 : vector<256x1024xf32>
      %get3A_49 = arith.constant 0 : index
      %get3A_50 = arith.constant 0 : index
      %get3A_51 = arith.constant 0 : index
      %get3A_52 = vector.load %arg6[%get3A_49, %get3A_50, %get3A_51] : memref<1x1024x1024xf32, #tpu.memory_space<vmem>>, vector<1x1024x1024xf32>
      %get3A_53 = vector.shape_cast %get3A_52 : vector<1x1024x1024xf32> to vector<1024x1024xf32>
      %dot_general3A_54 = arith.constant dense<0.000000e+00> : vector<256x1024xf32>
      %dot_general3A_55 = tpu.matmul %mul3A_48, %get3A_53, %dot_general3A_54 {dimension_numbers = #tpu.dot_dimension_numbers<[1], [0], [0], [1], [0, 0, 1, 1], [], []>, transpose_lhs_hint = false} : vector<256x1024xf32>, vector<1024x1024xf32>, vector<256x1024xf32> -> vector<256x1024xf32>
      %eq3A_56 = arith.constant 0 : i32
      %eq3A_57 = arith.cmpi eq, %arg1, %eq3A_56 : i32
      %jit3A = arith.constant 1.000000e+00 : f32
      %jit3A_58 = arith.constant 0.000000e+00 : f32
      %select_n3A = arith.select %eq3A_57, %jit3A, %jit3A_58 : f32
      %get3A_59 = arith.constant 0 : index
      %get3A_60 = arith.constant 0 : index
      %get3A_61 = arith.constant 0 : index
      %get3A_62 = vector.load %arg7[%get3A_59, %get3A_60, %get3A_61] : memref<1x1x1024xf32, #tpu.memory_space<vmem>>, vector<1x1x1024xf32>
      %get3A_63 = vector.shape_cast %get3A_62 : vector<1x1x1024xf32> to vector<1x1024xf32>
      %mul3A_64 = vector.broadcast %select_n3A : f32 to vector<1x1024xf32>
      %mul3A_65 = arith.mulf %mul3A_64, %get3A_63 : vector<1x1024xf32>
      %add3A_66 = vector.broadcast %mul3A_65 : vector<1x1024xf32> to vector<256x1024xf32>
      %add3A_67 = arith.addf %dot_general3A_55, %add3A_66 : vector<256x1024xf32>
      %get3A_68 = arith.constant 4 : index
      %get3A_69 = arith.index_cast %get3A_4 : i32 to index
      %get3A_70 = memref.load %arg2[%get3A_68, %get3A_69] : memref<5x64xi32, #tpu.memory_space<smem>>
      %add3A_71 = arith.constant 1 : i32
      %add3A_72 = arith.addi %get3A_4, %add3A_71 : i32
      %get3A_73 = arith.constant 4 : index
      %get3A_74 = arith.index_cast %add3A_72 : i32 to index
      %get3A_75 = memref.load %arg2[%get3A_73, %get3A_74] : memref<5x64xi32, #tpu.memory_space<smem>>
      %mul3A_76 = arith.constant 256 : i32
      %mul3A_77 = arith.muli %get3A_1, %mul3A_76 : i32
      %iota3A = tpu.iota {dimensions = array<i32: 0>} : vector<256x1xi32>
      %add3A_78 = vector.broadcast %mul3A_77 : i32 to vector<256x1xi32>
      %add3A_79 = arith.addi %add3A_78, %iota3A : vector<256x1xi32>
      %ge3A = vector.broadcast %get3A_70 : i32 to vector<256x1xi32>
      %ge3A_80 = arith.cmpi sge, %add3A_79, %ge3A : vector<256x1xi32>
      %lt3A = vector.broadcast %get3A_75 : i32 to vector<256x1xi32>
      %lt3A_81 = arith.cmpi slt, %add3A_79, %lt3A : vector<256x1xi32>
      %and3A_82 = arith.andi %ge3A_80, %lt3A_81 : vector<256x1xi1>
      %get3A_83 = arith.constant 0 : index
      %get3A_84 = arith.constant 0 : index
      %get3A_85 = vector.load %arg8[%get3A_83, %get3A_84] : memref<256x1024xf32, #tpu.memory_space<vmem>>, vector<256x1024xf32>
      %jit3A_86 = arith.constant 0.000000e+00 : f32
      %broadcast_in_dim3A = vector.shape_cast %and3A_82 : vector<256x1xi1> to vector<256x1xi1>
      %broadcast_in_dim3A_87 = vector.broadcast %broadcast_in_dim3A : vector<256x1xi1> to vector<256x1024xi1>
      %broadcast_in_dim3A_88 = vector.broadcast %jit3A_86 : f32 to vector<256x1024xf32>
      %select_n3A_89 = arith.select %broadcast_in_dim3A_87, %add3A_67, %broadcast_in_dim3A_88 : vector<256x1024xi1>, vector<256x1024xf32>
      %add3A_90 = arith.addf %get3A_85, %select_n3A_89 : vector<256x1024xf32>
      %swap3A = arith.constant 0 : index
      %swap3A_91 = arith.constant 0 : index
      %swap3A_92 = vector.load %arg8[%swap3A, %swap3A_91] : memref<256x1024xf32, #tpu.memory_space<vmem>>, vector<256x1024xf32>
      tpu.vector_store %arg8[%swap3A, %swap3A_91], %add3A_90 {strides = array<i32>} : memref<256x1024xf32, #tpu.memory_space<vmem>>, vector<256x1024xf32>,
    } else {
    }
    return
  }
  func.func @transform_0(%arg0: i32, %arg1: i32, %arg2: memref<5x64xi32, #tpu.memory_space<smem>>) -> (i32, i32) {
    %get3A = arith.constant 0 : index
    %get3A_0 = arith.index_cast %arg0 : i32 to index
    %get3A_1 = memref.load %arg2[%get3A, %get3A_0] : memref<5x64xi32, #tpu.memory_space<smem>>
    %c0_i32 = arith.constant 0 : i32
    %c0_i32_2 = arith.constant 0 : i32
    return %get3A_1, %c0_i32 : i32, i32
  }
  func.func @transform_1(%arg0: i32, %arg1: i32, %arg2: memref<5x64xi32, #tpu.memory_space<smem>>) -> (i32, i32, i32) {
    %get3A = arith.constant 1 : index
    %get3A_0 = arith.index_cast %arg0 : i32 to index
    %get3A_1 = memref.load %arg2[%get3A, %get3A_0] : memref<5x64xi32, #tpu.memory_space<smem>>
    %c0_i32 = arith.constant 0 : i32
    %c0_i32_2 = arith.constant 0 : i32
    return %get3A_1, %c0_i32, %arg1 : i32, i32, i32
  }
  func.func @transform_2(%arg0: i32, %arg1: i32, %arg2: memref<5x64xi32, #tpu.memory_space<smem>>) -> (i32, i32, i32) {
    %get3A = arith.constant 1 : index
    %get3A_0 = arith.index_cast %arg0 : i32 to index
    %get3A_1 = memref.load %arg2[%get3A, %get3A_0] : memref<5x64xi32, #tpu.memory_space<smem>>
    %c0_i32 = arith.constant 0 : i32
    %c0_i32_2 = arith.constant 0 : i32
    return %get3A_1, %c0_i32, %arg1 : i32, i32, i32
  }
  func.func @transform_3(%arg0: i32, %arg1: i32, %arg2: memref<5x64xi32, #tpu.memory_space<smem>>) -> (i32, i32, i32) {
    %get3A = arith.constant 1 : index
    %get3A_0 = arith.index_cast %arg0 : i32 to index
    %get3A_1 = memref.load %arg2[%get3A, %get3A_0] : memref<5x64xi32, #tpu.memory_space<smem>>
    %c0_i32 = arith.constant 0 : i32
    %c0_i32_2 = arith.constant 0 : i32
    return %get3A_1, %arg1, %c0_i32 : i32, i32, i32
  }
  func.func @transform_4(%arg0: i32, %arg1: i32, %arg2: memref<5x64xi32, #tpu.memory_space<smem>>) -> (i32, i32, i32) {
    %get3A = arith.constant 1 : index
    %get3A_0 = arith.index_cast %arg0 : i32 to index
    %get3A_1 = memref.load %arg2[%get3A, %get3A_0] : memref<5x64xi32, #tpu.memory_space<smem>>
    %c0_i32 = arith.constant 0 : i32
    %c0_i32_2 = arith.constant 0 : i32
    %c0_i32_3 = arith.constant 0 : i32
    return %get3A_1, %c0_i32, %c0_i32_2 : i32, i32, i32
  }
  func.func @transform_5(%arg0: i32, %arg1: i32, %arg2: memref<5x64xi32, #tpu.memory_space<smem>>) -> (i32, i32) {
    %get3A = arith.constant 0 : index
    %get3A_0 = arith.index_cast %arg0 : i32 to index
    %get3A_1 = memref.load %arg2[%get3A, %get3A_0] : memref<5x64xi32, #tpu.memory_space<smem>>
    %c0_i32 = arith.constant 0 : i32
    %c0_i32_2 = arith.constant 0 : i32
    return %get3A_1, %c0_i32 : i32, i32
  }
}

</mosaic_0001>

<sc_bundles>
// kernel: gather_offload_async_start.1
scs
__scs_entry_jumppad:
0x0: {  	(pc) =	sbr.rel $0x88, $3  }
0x1: {  	(tag) =	ssettag $0x0;
	lr =	simm.s32 $0x1  }
0x2: {  	[smem:$0x3F93] =	sst lr;
	_ =	strace $0xD0000000  }
0x3: {  	_ = 	snop  }
0x4: {  	_ = 	snop  }
0x5: {  	_ = 	snop  }
0x6: {  	_ = 	snop  }
0x7: {  	_ = 	snop  }
__scs_overlays_trampoline_lowered:
0x8: {  	[smem:$0x3FA2] =	sst s0  }
0x9: {  	[smem:$0x3FA3] =	sst s1  }
0xa: {  	[smem:$0x3FA4] =	sst s2  }
0xb: {  	[smem:$0x3FA5] =	sst s3  }
0xc: {  	[smem:$0x3FA6] =	sst s4  }
0xd: {  	[smem:$0x3FA7] =	sst s5  }
0xe: {  	[smem:$0x3FA8] =	sst s6  }
0xf: {  	[smem:$0x3FA9] =	sst s7  }
0x10: {  	[smem:$0x3FAA] =	sst s8  }
0x11: {  	[smem:$0x3FAB] =	sst s9;
	s0 =	simm.s32 @!p0 $0x0  }
0x12: {  	s1 =	sld [smem:$0x3F91];
	s0 =	simm.s32 @p0 $0x1  }
0x13: {  	[smem:$0x3FAC] =	sst s0;
	s0 =	simm.s32 @!p1 $0x0  }
0x14: {  	s2 =	sld [smem:$0x3F90];
	s0 =	simm.s32 @p1 $0x1  }
0x15: {  	[smem:$0x3FAD] =	sst s0;
	s0 =	simm.s32 @!p2 $0x0  }
0x16: {  	s3 =	sld [smem:$0x3FDB];
	s0 =	simm.s32 @p2 $0x1  }
0x17: {  	s4 =	simm.s32 $0x1BF5;
	[smem:$0x3FAF] =	sst s0  }
0x18: {  	s0 =	sld [smem:$0x3F92];
	_ =	swait.ge [sflag:s4], $0x0  }
0x19: {  	s7 =	sld [smem:$0x3F93]  }
0x1a: {  	s8 =	sadd.s32 $0xFFFFE003, lr  }
0x1b: {  	s9 =	sadd.s32 $0xFFFFFEF7, lr;
	s5 =	simm.s32 $0xFFFFFFFF;
	p2 =	slt.u32 s8, $0xFFFFF086  }
0x1c: {  	p1 =	slt.u32 s9, $0xF7A;
	s5 =	simm.s32 @!p2 $0x0  }
0x1d: {  	s5 =	simm.s32 @p1 $0x1;
	p0 =	seq.s32 s7, s2  }
0x1e: {  	s7 =	smul.u32 @!p0 $0xF7A, s2;
	p2 =	seq.s32 @!p0 s5, $0x0  }
0x1f: {  	s9 =	smul.u32 $0xF7A, s1;
	s8 =	simm.s32 @!p0 $0x1BF5;
	p2 =	por !p2, p0  }
0x20: {  	[sflag:s8] =	ssyncset.s32 @!p0 $0xFFFFF086;
	s6 =	sadd.s32 @!p0 s3, s7;
	s7 =	simm.s32 @!p0 $0x108  }
0x21: {  	s3 =	sadd.s32 s3, s9;
	s6 =	sadd.s32 @!p0 $0x88, s6;
	s7 =	simm.s32 @p2 $0x1082  }
0x22: {  	[simem:s7], [sflag:s8] =	dma.local @!p0 [hbm:s6], $0xF7A  }
0x23: {  	s9 =	sor.u32 $0xD0000000, s2;
	s6 =	simm.s32 $0x108;
	_ =	swait.ge @!p0 [sflag:s8], $0x0  }
0x24: {  	s3 =	sadd.s32 $0x88, s3;
	s6 =	simm.s32 @!p1 $0x1082;
	[sflag:s4] =	ssyncset.s32 $0xFFFFF086  }
0x25: {  	[simem:s6], [sflag:s4] =	dma.local [hbm:s3], $0xF7A  }
0x26: {  	[smem:$0x3F93] =	sst s1;
	(tag) =	ssettag s2;
	_ =	strace s9  }
0x27: {  	s1 =	sld [smem:$0x3FA3]  }
0x28: {  	s2 =	sld [smem:$0x3FA4]  }
0x29: {  	s4 =	sld [smem:$0x3FA6]  }
0x2a: {  	p0 =	seq.s32 s5, $0x0;
	s5 =	sld [smem:$0x3FA7]  }
0x2b: {  	s6 =	sld [smem:$0x3FA8]  }
0x2c: {  	s7 =	sld [smem:$0x3FA9]  }
0x2d: {  	s3 =	simm.s32 $0x108;
	s8 =	sld [smem:$0x3FAA]  }
0x2e: {  	s3 =	simm.s32 @!p0 $0x1082;
	s9 =	sld [smem:$0x3FAB]  }
0x2f: {  	lr =	sadd.s32 s0, s3;
	s0 =	sld [smem:$0x3FA2]  }
0x30: {  	s3 =	sld [smem:$0x3FA5]  }
0x31: {  	[smem:$0x3FAE] =	sst s10  }
0x32: {  	s10 =	sld [smem:$0x3FAC];
	_ =	sdelay $0x3  }
0x33: {  	p0 =	seq.s32 s10, $0x1;
	s10 =	sld [smem:$0x3FAE];
	_ =	sdelay $0x3  }
0x34: {  	[smem:$0x3FAE] =	sst s10  }
0x35: {  	s10 =	sld [smem:$0x3FAD];
	_ =	sdelay $0x3  }
0x36: {  	p1 =	seq.s32 s10, $0x1;
	s10 =	sld [smem:$0x3FAE];
	_ =	sdelay $0x3  }
0x37: {  	[smem:$0x3FAE] =	sst s10  }
0x38: {  	s10 =	sld [smem:$0x3FAF]  }
0x39: {  	_ = 	snop;
	(pc) =	sbr.ind lr, $3  }
0x3a: {  	_ = 	snop  }
0x3b: {  	_ = 	snop  }
0x3c: {  	p2 =	seq.s32 s10, $0x1;
	s10 =	sld [smem:$0x3FAE]  }
0x3d: {  	_ =	shalt  }
0x3e: {  	_ =	shalt  }
0x3f: {  	_ =	shalt  }
0x40: {  	_ =	shalt  }
0x41: {  	_ =	shalt  }
0x42: {  	_ =	shalt  }
0x43: {  	_ =	shalt  }
0x44: {  	_ =	shalt  }
0x45: {  	_ =	shalt  }
0x46: {  	_ =	shalt  }
0x47: {  	_ =	shalt  }
0x48: {  	_ =	shalt  }
0x49: {  	_ =	shalt  }
0x4a: {  	_ =	shalt  }
0x4b: {  	_ =	shalt  }
0x4c: {  	_ =	shalt  }
0x4d: {  	_ =	shalt  }
0x4e: {  	_ =	shalt  }
0x4f: {  	_ =	shalt  }
0x50: {  	_ =	shalt  }
0x51: {  	_ =	shalt  }
0x52: {  	_ =	shalt  }
0x53: {  	_ =	shalt  }
0x54: {  	_ =	shalt  }
0x55: {  	_ =	shalt  }
0x56: {  	_ =	shalt  }
0x57: {  	_ =	shalt  }
0x58: {  	_ =	shalt  }
0x59: {  	_ =	shalt  }
0x5a: {  	_ =	shalt  }
0x5b: {  	_ =	shalt  }
0x5c: {  	_ =	shalt  }
0x5d: {  	_ =	shalt  }
0x5e: {  	_ =	shalt  }
0x5f: {  	_ =	shalt  }
0x60: {  	_ =	shalt  }
0x61: {  	_ =	shalt  }
0x62: {  	_ =	shalt  }
0x63: {  	_ =	shalt  }
0x64: {  	_ =	shalt  }
0x65: {  	_ =	shalt  }
0x66: {  	_ =	shalt  }
0x67: {  	_ =	shalt  }
0x68: {  	_ =	shalt  }
0x69: {  	_ =	shalt  }
0x6a: {  	_ =	shalt  }
0x6b: {  	_ =	shalt  }
0x6c: {  	_ =	shalt  }
0x6d: {  	_ =	shalt  }
0x6e: {  	_ =	shalt  }
0x6f: {  	_ =	shalt  }
0x70: {  	_ =	shalt  }
0x71: {  	_ =	shalt  }
0x72: {  	_ =	shalt  }
0x73: {  	_ =	shalt  }
0x74: {  	_ =	shalt  }
0x75: {  	_ =	shalt  }
0x76: {  	_ =	shalt  }
0x77: {  	_ =	shalt  }
0x78: {  	_ =	shalt  }
0x79: {  	_ =	shalt  }
0x7a: {  	_ =	shalt  }
0x7b: {  	_ =	shalt  }
0x7c: {  	_ =	shalt  }
0x7d: {  	_ =	shalt  }
0x7e: {  	_ =	shalt  }
0x7f: {  	_ =	shalt  }
0x80: {  	_ =	shalt  }
0x81: {  	_ =	shalt  }
0x82: {  	_ =	shalt  }
0x83: {  	_ =	shalt  }
0x84: {  	_ =	shalt  }
0x85: {  	_ =	shalt  }
0x86: {  	_ =	shalt  }
0x87: {  	_ =	shalt  }
.Lfunc_end0:
.L_simem_size_0:
called_computation.2_lowered:
.L_overlay_start_0:
0x88: {  	s2 =	sld [smem:$0x3FD9]  }
0x89: {  	s3 =	sld [smem:$0x3FFE];
	_ =	sdelay $0x1  }
0x8a: {  	s1 =	srdreg.scid  }
0x8b: {  	s0 =	sand.u32 $0x1, s1  }
0x8c: {  	s17 =	sshll.u32 s0, $0xA;
	s2 =	sadd.s32 s3, s2  }
0x8d: {  	s2 =	sadd.s32 s2, s17  }
0x8e: {  	[smem:$0x3FBA] =	sst s2  }
0x8f: {  	_ = 	snop  }
0x90: {  	s2 =	sld [smem:$0x3FD0];
	(tm) =	ssettm $0x1  }
0x91: {  	s18 =	sld [smem:$0x3FFB];
	_ =	sdelay $0x3  }
0x92: {  	_ =	strace s18  }
0x93: {  	s3 =	sld [smem:$0x3FFC];
	_ =	sdelay $0x3  }
0x94: {  	_ =	strace s3  }
0x95: {  	s3 =	sld [smem:$0x3FFD];
	_ =	sdelay $0x3  }
0x96: {  	_ =	strace s3  }
0x97: {  	_ =	strace $0x8FFFFFFF  }
0x98: {  	s19 =	sld [smem:$0x3FDB];
	_ =	sdelay $0x1  }
0x99: {  	s4 =	simm.s32 $_scs_section_size  }
0x9a: {  	s5 =	simm.s32 $_size__tile_overlayer_lowered;
	s6 =	simm.s32 $_tile_overlayer_lowered  }
0x9b: {  	s22 =	simm.s32 $0x1BFF;
	s21 =	sshll.u32 s6, $0x1;
	s3 =	sadd.s32 s4, s19  }
0x9c: {  	s7 =	simm.s32 $0x0;
	s20 =	sshll.u32 s5, $0x1;
	s5 =	sadd.s32 s21, s3  }
0x9d: {  	[timem:s7], [sflag:s22] =	dma.local [hbm:s5], s20  }
0x9e: {  	_ =	swait.ge [sflag:s22], s20  }
0x9f: {  	s4 =	ssub.s32 $0x0, s20;
	[sflag:s22] =	ssyncset.done $0x0  }
0xa0: {  	[sflag:s22] =	ssyncadd.s32 s4;
	_ =	sdelay $0x1  }
0xa1: {  	s23 =	simm.s32 $0x1B8B  }
0xa2: {  	_ =	swait.ge [sflag:s23], $0x1  }
0xa3: {  	[sflag:s23] =	ssyncset.done $0x0  }
0xa4: {  	s25 =	simm.s32 $0x1B8E;
	s24 =	sld [smem:$0x3FFE];
	[sflag:s23] =	ssyncadd.s32 $0xFFFFFFFF  }
0xa5: {  	s26 =	simm.s32 $execute0_lowered;
	[smem:$0x3FD2] =	sst s25  }
0xa6: {  	s5 =	sshll.u32 s26, $0x1;
	_ =	strace $0x80000049;
	[dreg:$0x1] =	wrdreg $0xFFFFFFFF  }
0xa7: {  	s28 =	simm.s32 $_size_execute0_lowered;
	s3 =	sadd.s32 s3, s5;
	[dreg:$0x0] =	wrdreg $0x0  }
0xa8: {  	s5 =	sshll.u32 s28, $0x1;
	[dreg:$0x2] =	wrdreg s3  }
0xa9: {  	[dreg:$0x3] =	wrdreg s5  }
0xaa: {  	[dreg:$0x4] =	wrdreg $0xC0  }
0xab: {  	_ =	task [dreg:s7], $0x5FFFF  }
0xac: {  	[dreg:$0x1] =	wrdreg $0xFFFFFFFF  }
0xad: {  	[dreg:$0x0] =	wrdreg $0x60  }
0xae: {  	[dreg:$0x2] =	wrdreg s2  }
0xaf: {  	[dreg:$0x3] =	wrdreg s24  }
0xb0: {  	[dreg:$0x4] =	wrdreg $0x9  }
0xb1: {  	_ =	task.clear_ibuf [dreg:s7], $0x5FFFF;
	_ =	strace $0x90000049  }
0xb2: {  	s29 =	simm.s32 $0x9;
	_ =	strace $0x8000004B  }
0xb3: {  	_ =	swait.ge [sflag:s29], $0x1  }
0xb4: {  	[sflag:s29] =	ssyncadd.s32 $0xFFFFFFFF  }
0xb5: {  	_ =	strace $0x9000004B  }
0xb6: {  	_ =	sfence  }
0xb7: {  	s30 =	sld [smem:$0x0];
	_ =	sdelay $0x2  }
0xb8: {  	s31 =	sshll.u32 s1, $0xD;
	s1 =	sshrl.u32 s1, $0x2  }
0xb9: {  	s3 =	sand.u32 $0x4000, s31;
	s1 =	sadd.s32 s1, s30  }
0xba: {  	s0 =	sor.u32 s3, s0;
	s1 =	sshll.u32 s1, $0x11  }
0xbb: {  	s0 =	sor.u32 s1, s0  }
0xbc: {  	s0 =	sadd.s32 $0x8F2B, s0  }
0xbd: {  	[sflag:s0] =	ssyncadd.remote.s32 $0x1  }
0xbe: {  	_ =	sfence.sel $0xFFFF  }
0xbf: {  	[dreg:$0x0] =	wrdreg $0xFFFFFFFF;
	(pc) =	sbr.abs _section_cstart, $3  }
0xc0: {  	[dreg:$0x1] =	wrdreg $0xFFFFFFFF  }
0xc1: {  	_ =	task.clear_ibuf [dreg:s7], $0x2FFFF;
	_ =	strace $0x9FFFFFFF  }
0xc2: {  	(tm) =	ssettm $0x7FFFFFFF  }
0xc3: {  	_ =	shalt  }
tec
execute0_lowered:
.L_overlay_start_1:
0x0: {  	(tag) =	ssettag $0x1  }
0x1: {  	s2 =	rddreg [dreg:$0x0];
	s0 =	srdreg.scid  }
0x2: {  	s5 =	rddreg [dreg:$0x1];
	s1 =	stileid.u32;
	s6 =	simm.s32 $0x1  }
0x3: {  	s9 =	simm.s32 $0x1;
	s10 =	simm.s32 $0x3;
	s3 =	sshll.u32 s0, $0x7  }
0x4: {  	s13 =	simm.s32 $0x0;
	s4 =	sshll.u32 s1, $0x8;
	s3 =	sand.u32 $0x80, s3  }
0x5: {  	s0 =	rddreg [dreg:$0x2];
	_ =	strace $0x8000004A;
	s3 =	sor.u32 s4, s3  }
0x6: {  	s12 =	simm.s32 $0x0;
	[sflag:s6] =	ssyncpa.u1 $0x0;
	s8 =	ssub.s32 $0x2000, s3  }
.Ltmp0:
0x7: {  	s4 =	sadd.s32 $0x102400, s5;
	s7 =	sand.u32 $0xF80, s8;
	(pc) =	sbr.rel .LBB2_1-.Ltmp0, $4  }
0x8: {  	s5 =	sadd.s32 $0x102800, s5;
	s11 =	smov.u32 s3;
	p0 =	sne.s32 s7, $0x0  }
0x9: {  	s8 =	sshrl.u32 s8, $0xC;
	s7 =	simm.s32 $0x2;
	s9 =	simm.s32 @!p0 $0x0  }
0xa: {  	[sflag:s7] =	ssyncpa.u1 $0x0;
	p0 =	por $0x0, $0x0;
	s8 =	sadd.s32 s9, s8  }
0xb: {  	vm0 =	vmmov $0xffff;
	[sflag:s10] =	ssyncpa.u1 $0x0;
	s10 =	simm.s32 $0x0;
	s9 =	sadd.s32 $0x1, s8  }
.LBB2_4:
0xc: {  	v5 =	vshrl.u32 v1, $0xD;
	v6 =	vshll.u32 v1, $0x7  }
0xd: {  	vm1 =	veq.s32 v1, $0x80000000;
	v58 =	vand.u32 $0x7, v5;
	v59 =	vand.u32 $0xFFF80, v6  }
0xe: {  	v1 =	vsel vm1, $0xFFFFFFFF, v58;
	v5 =	vsel vm1, $0xFFFFFF80, v59  }
0xf: {  	v3 =	vor.u32 v4, v3;
	v60 =	vand.u32 $0xFFFFFC00, v5;
	v61 =	vand.u32 $0xFFFFFC00, v1  }
0x10: {  	v2 =	vor.u32 v2, v3;
	v63 =	vand.u32 $0x380, v5;
	v62 =	vadd.s32 v61, v60  }
0x11: {  	v1 =	vand.u32 $0x7F, v1;
	v3 =	vor.u32 v63, v62  }
0x12: {  	v1 =	vor.u32 v1, v3  }
0x13: {  	[tilespmem:s15], [sflag:$0x1] =	stream.indirect_vreg.gather [hbm4b:s2+s10], $0x1, v0, vm0, $0x4038;
	[tilespmem:$0x200] =	vst v63  }
0x14: {  	(ifvalue) =	ssetifvalue $0x7FFFFFFF  }
0x15: {  	[tilespmem:s16], [sflag:$0x1] =	stream.indirect_vreg.gather [hbm4b:s2+s10], $0x1, v2, vm0, $0x4038;
	[tilespmem:$0x200] =	vst v63  }
0x16: {  	s29 =	sadd.s32 $0x10, s16;
	(ifvalue) =	ssetifvalue $0x7FFFFFFF  }
0x17: {  	[tilespmem:s29], [sflag:$0x1] =	stream.indirect_vreg.gather [hbm4b:s2+s10], $0x1, v1, vm0, $0x4038;
	[tilespmem:$0x200] =	vst v63  }
0x18: {  	_ =	swait.ge [sflag:s6], $0x80  }
0x19: {  	s30 =	sshrl.u32 s13, $0x3;
	[sflag:s6] =	ssyncset.done $0x0  }
0x1a: {  	s31 =	sand.u32 $0x7, s13;
	s15 =	sadd.s32 s5, s30;
	[sflag:s6] =	ssyncadd.s32 $0xFFFFFF80  }
0x1b: {  	[hbm4b:s15+s31] =	stream.linear.scatter [tilespmem:s14], [sflag:$0x3], $0x80, $0x38;
	[tilespmem:$0x200] =	vst v63  }
.LBB2_5:
0x1c: {  	s15 =	sadd.s32 $0x1000, s11  }
0x1d: {  	p2 =	sgt.s32 s15, $0x1FFF  }
0x1e: {  	s15 =	smov.u32 @p2 s3;
	p2 =	sne.s32 s12, s9  }
.Ltmp1:
0x1f: {  	p1 =	slt.u32 s12, $0x2;
	(pc) =	sbr.rel @!p2 .LBB2_6-.Ltmp1, $4  }
0x20: {  	s14 =	simm.s32 @!p1 $0x3  }
0x21: {  	s16 =	sadd.s32 $0x1, s12;
	_ =	swait.ge @!p1 [sflag:s14], $0x80  }
0x22: {  	s13 =	smov.u32 s11;
	p0 =	por !p0, !p0;
	[sflag:s14] =	ssyncset.done @!p1 $0x0  }
0x23: {  	s12 =	smov.u32 s16;
	s11 =	smov.u32 s15;
	[sflag:s14] =	ssyncadd.s32 @!p1 $0xFFFFFF80  }
.LBB2_1:
0x24: {  	p1 =	sge.u32 s12, s8  }
0x25: {  	s14 =	sxor.u32 @!p1 $0xFFFFFFFF, s12  }
0x26: {  	s31 =	sadd.s32 $0xFFFFFFFF, s12;
	s15 =	sshrl.u32 @!p1 s11, $0x3;
	s14 =	sshll.u32 @!p1 s14, $0x7  }
0x27: {  	s16 =	sand.u32 @!p1 $0x7, s11;
	s15 =	sadd.s32 @!p1 s4, s15;
	s14 =	sand.u32 @!p1 $0x80, s14  }
0x28: {  	[tilespmem:s14], [sflag:$0x2] =	stream.linear.gather @!p1 [hbm4b:s15+s16], $0x80, $0x38;
	[tilespmem:$0x200] =	vst v63  }
0x29: {  	p1 =	sge.u32 s31, s8  }
.Ltmp2:
0x2a: {  	_ = 	snop;
	(pc) =	sbr.rel @p1 .LBB2_5-.Ltmp2, $1  }
0x2b: {  	_ =	sdelay $0x3  }
0x2c: {  	s14 =	simm.s32 $0x1  }
0x2d: {  	_ =	swait.ge [sflag:s7], $0x80;
	s14 =	simm.s32 @!p0 $0x0  }
0x2e: {  	[sflag:s7] =	ssyncset.done $0x0;
	s14 =	sshll.u32 s14, $0x7  }
0x2f: {  	[sflag:s7] =	ssyncadd.s32 $0xFFFFFF80;
	(ifvalue) =	ssetifvalue $0x7FFFFFFF;
	v0 =	vld.msk [tilespmem:s14+$0x0 ss:$0x1], $0xffff;
	_ =	sdelay $0x4  }
0x30: {  	s15 =	sadd.s32 $0x10, s14;
	v2 =	vshrl.u32 v0, $0xD;
	v3 =	vshll.u32 v0, $0x7  }
0x31: {  	v1 =	vld.msk [tilespmem:s15+$0x0 ss:$0x1], $0xffff;
	vm1 =	veq.s32 v0, $0x80000000;
	v0 =	vand.u32 $0x7, v2;
	v2 =	vand.u32 $0xFFF80, v3  }
0x32: {  	v0 =	vsel vm1, $0xFFFFFFFF, v0;
	v2 =	vsel vm1, $0xFFFFFF80, v2  }
0x33: {  	v3 =	vand.u32 $0xFFFFFC00, v2;
	v4 =	vand.u32 $0xFFFFFC00, v0  }
0x34: {  	v2 =	vand.u32 $0x380, v2;
	v3 =	vadd.s32 v4, v3  }
0x35: {  	v0 =	vand.u32 $0x7F, v0;
	v2 =	vor.u32 v2, v3  }
0x36: {  	v5 =	vshll.u32 v1, $0x7;
	v4 =	vshrl.u32 v1, $0xD;
	v0 =	vor.u32 v0, v2  }
0x37: {  	s16 =	sshll.u32 s12, $0x7;
	vm1 =	veq.s32 v1, $0x80000000;
	v1 =	vand.u32 $0x7, v4;
	v4 =	vand.u32 $0xFFF80, v5  }
0x38: {  	s16 =	sand.u32 $0x80, s16;
	s18 =	sadd.s32 $0x10, s15;
	v3 =	vsel vm1, $0xFFFFFFFF, v1;
	v4 =	vsel vm1, $0xFFFFFF80, v4  }
0x39: {  	s17 =	simm.s32 $0x20;
	s15 =	sor.u32 $0x100, s14;
	s14 =	sor.u32 $0x100, s16;
	v1 =	vld.msk [tilespmem:s18+$0x0 ss:$0x1], $0xffff;
	v5 =	vand.u32 $0xFFFFFC00, v4;
	v6 =	vand.u32 $0xFFFFFC00, v3  }
0x3a: {  	s16 =	sadd.s32 $0x10, s15;
	s18 =	sadd.s32 $0x10, s18;
	(ifvalue) =	ssetifvalue $0x7FFFFFFF;
	v2 =	vand.u32 $0x7F, v3;
	v4 =	vand.u32 $0x380, v4;
	v3 =	vadd.s32 v6, v5  }
.LBB2_3:
0x3b: {  	[tilespmem:s15], [sflag:$0x1] =	stream.indirect_vreg.gather [hbm4b:s2+s10], $0x1, v0, vm0, $0x4038;
	[tilespmem:$0x200] =	vst v63  }
0x3c: {  	s17 =	sadd.s32 $0x10, s17  }
0x3d: {  	v3 =	vor.u32 v4, v3;
	p1 =	slt.u32 s17, $0x70  }
.Ltmp3:
0x3e: {  	v4 =	vshrl.u32 v1, $0xD;
	v5 =	vshll.u32 v1, $0x7;
	s15 =	smov.u32 s16;
	v0 =	vor.u32 v2, v3;
	v2 =	vmovc v1;
	v1 =	vld.msk [tilespmem:s18+$0x0 ss:$0x1], $0xffff;
	(pc) =	sbr.rel @p1 .LBB2_3-.Ltmp3, $4  }
0x3f: {  	v3 =	vand.u32 $0xFFF80, v5;
	vm1 =	veq.s32 v2, $0x80000000;
	v2 =	vand.u32 $0x7, v4  }
0x40: {  	v4 =	vsel vm1, $0xFFFFFFFF, v2;
	v5 =	vsel vm1, $0xFFFFFF80, v3  }
0x41: {  	v2 =	vand.u32 $0x7F, v4;
	v3 =	vand.u32 $0xFFFFFC00, v5;
	v4 =	vand.u32 $0xFFFFFC00, v4  }
0x42: {  	s16 =	sadd.s32 $0x10, s16;
	s18 =	sadd.s32 $0x10, s18;
	v3 =	vadd.s32 v4, v3;
	v4 =	vand.u32 $0x380, v5;
	(ifvalue) =	ssetifvalue $0x7FFFFFFF  }
.Ltmp4:
0x43: {  	_ = 	snop;
	(pc) =	sbr.rel .LBB2_4-.Ltmp4, $1  }
0x44: {  	_ =	sdelay $0x3  }
.LBB2_6:
0x45: {  	_ =	sfence.sel $0x180000  }
0x46: {  	s2 =	simm.s32 $0x2;
	[bflag:$0x0] =	sbarrier.arrive $0xFFFF  }
0x47: {  	s30 =	simm.s32 $0x3;
	[sflag:s2] =	ssyncpa.u1 $0x1  }
0x48: {  	s31 =	simm.s32 $0x1;
	[sflag:s30] =	ssyncpa.u1 $0x1  }
0x49: {  	[sflag:s31] =	ssyncpa.u1 $0x1  }
0x4a: {  	p0 =	sne.s32 s1, $0x0;
	_ =	strace $0x9000004A  }
0x4b: {  	s0 =	sadd.s32 @!p0 $0x100000, s0;
	[bflag:$0x2] =	sbarrier.arrive $0xFFFF  }
0x4c: {  	[sflag:s0] =	ssyncadd.tile.s32 @!p0 $0x1;
	_ =	shalt  }
.Lfunc_end2:
_tile_overlayer_lowered:
.L_overlay_start_2:
0x4d: {  	(tag) =	ssettag $0x2  }
0x4e: {  	s0 =	rddreg [dreg:$0x0];
	s2 =	stileid.u32  }
0x4f: {  	s1 =	rddreg [dreg:$0x1];
	p0 =	sne.s32 s2, $0x0  }
0x50: {  	s3 =	rddreg [dreg:$0x2];
	[bflag:$0x3] =	sbarrier.arrive $0xFFFF;
	s2 =	simm.s32 @!p0 $0x1C01  }
0x51: {  	[timem:s3], [sflag:s2] =	dma.local @!p0 [hbm:s0], s1  }
0x52: {  	s0 =	simm.s32 @!p0 $0x1  }
0x53: {  	_ =	swait.ge @!p0 [sflag:s0], s1  }
0x54: {  	s1 =	ssub.s32 @!p0 $0x0, s1;
	[sflag:s0] =	ssyncset.done @!p0 $0x0  }
0x55: {  	[sflag:s0] =	ssyncadd.s32 @!p0 s1  }
0x56: {  	[bflag:$0x3] =	sbarrier.arrive $0xFFFF  }
0x57: {  	_ =	shalt  }

// kernel: gather_offload_async_start
scs
__scs_entry_jumppad:
0x0: {  	(pc) =	sbr.rel $0x88, $3  }
0x1: {  	(tag) =	ssettag $0x0;
	lr =	simm.s32 $0x1  }
0x2: {  	[smem:$0x3F93] =	sst lr;
	_ =	strace $0xD0000000  }
0x3: {  	_ = 	snop  }
0x4: {  	_ = 	snop  }
0x5: {  	_ = 	snop  }
0x6: {  	_ = 	snop  }
0x7: {  	_ = 	snop  }
__scs_overlays_trampoline_lowered:
0x8: {  	[smem:$0x3FA2] =	sst s0  }
0x9: {  	[smem:$0x3FA3] =	sst s1  }
0xa: {  	[smem:$0x3FA4] =	sst s2  }
0xb: {  	[smem:$0x3FA5] =	sst s3  }
0xc: {  	[smem:$0x3FA6] =	sst s4  }
0xd: {  	[smem:$0x3FA7] =	sst s5  }
0xe: {  	[smem:$0x3FA8] =	sst s6  }
0xf: {  	[smem:$0x3FA9] =	sst s7  }
0x10: {  	[smem:$0x3FAA] =	sst s8  }
0x11: {  	[smem:$0x3FAB] =	sst s9;
	s0 =	simm.s32 @!p0 $0x0  }
0x12: {  	s1 =	sld [smem:$0x3F91];
	s0 =	simm.s32 @p0 $0x1  }
0x13: {  	[smem:$0x3FAC] =	sst s0;
	s0 =	simm.s32 @!p1 $0x0  }
0x14: {  	s2 =	sld [smem:$0x3F90];
	s0 =	simm.s32 @p1 $0x1  }
0x15: {  	[smem:$0x3FAD] =	sst s0;
	s0 =	simm.s32 @!p2 $0x0  }
0x16: {  	s3 =	sld [smem:$0x3FDB];
	s0 =	simm.s32 @p2 $0x1  }
0x17: {  	s4 =	simm.s32 $0x1BF5;
	[smem:$0x3FAF] =	sst s0  }
0x18: {  	s0 =	sld [smem:$0x3F92];
	_ =	swait.ge [sflag:s4], $0x0  }
0x19: {  	s7 =	sld [smem:$0x3F93]  }
0x1a: {  	s8 =	sadd.s32 $0xFFFFE003, lr  }
0x1b: {  	s9 =	sadd.s32 $0xFFFFFEF7, lr;
	s5 =	simm.s32 $0xFFFFFFFF;
	p2 =	slt.u32 s8, $0xFFFFF086  }
0x1c: {  	p1 =	slt.u32 s9, $0xF7A;
	s5 =	simm.s32 @!p2 $0x0  }
0x1d: {  	s5 =	simm.s32 @p1 $0x1;
	p0 =	seq.s32 s7, s2  }
0x1e: {  	s7 =	smul.u32 @!p0 $0xF7A, s2;
	p2 =	seq.s32 @!p0 s5, $0x0  }
0x1f: {  	s9 =	smul.u32 $0xF7A, s1;
	s8 =	simm.s32 @!p0 $0x1BF5;
	p2 =	por !p2, p0  }
0x20: {  	[sflag:s8] =	ssyncset.s32 @!p0 $0xFFFFF086;
	s6 =	sadd.s32 @!p0 s3, s7;
	s7 =	simm.s32 @!p0 $0x108  }
0x21: {  	s3 =	sadd.s32 s3, s9;
	s6 =	sadd.s32 @!p0 $0x88, s6;
	s7 =	simm.s32 @p2 $0x1082  }
0x22: {  	[simem:s7], [sflag:s8] =	dma.local @!p0 [hbm:s6], $0xF7A  }
0x23: {  	s9 =	sor.u32 $0xD0000000, s2;
	s6 =	simm.s32 $0x108;
	_ =	swait.ge @!p0 [sflag:s8], $0x0  }
0x24: {  	s3 =	sadd.s32 $0x88, s3;
	s6 =	simm.s32 @!p1 $0x1082;
	[sflag:s4] =	ssyncset.s32 $0xFFFFF086  }
0x25: {  	[simem:s6], [sflag:s4] =	dma.local [hbm:s3], $0xF7A  }
0x26: {  	[smem:$0x3F93] =	sst s1;
	(tag) =	ssettag s2;
	_ =	strace s9  }
0x27: {  	s1 =	sld [smem:$0x3FA3]  }
0x28: {  	s2 =	sld [smem:$0x3FA4]  }
0x29: {  	s4 =	sld [smem:$0x3FA6]  }
0x2a: {  	p0 =	seq.s32 s5, $0x0;
	s5 =	sld [smem:$0x3FA7]  }
0x2b: {  	s6 =	sld [smem:$0x3FA8]  }
0x2c: {  	s7 =	sld [smem:$0x3FA9]  }
0x2d: {  	s3 =	simm.s32 $0x108;
	s8 =	sld [smem:$0x3FAA]  }
0x2e: {  	s3 =	simm.s32 @!p0 $0x1082;
	s9 =	sld [smem:$0x3FAB]  }
0x2f: {  	lr =	sadd.s32 s0, s3;
	s0 =	sld [smem:$0x3FA2]  }
0x30: {  	s3 =	sld [smem:$0x3FA5]  }
0x31: {  	[smem:$0x3FAE] =	sst s10  }
0x32: {  	s10 =	sld [smem:$0x3FAC];
	_ =	sdelay $0x3  }
0x33: {  	p0 =	seq.s32 s10, $0x1;
	s10 =	sld [smem:$0x3FAE];
	_ =	sdelay $0x3  }
0x34: {  	[smem:$0x3FAE] =	sst s10  }
0x35: {  	s10 =	sld [smem:$0x3FAD];
	_ =	sdelay $0x3  }
0x36: {  	p1 =	seq.s32 s10, $0x1;
	s10 =	sld [smem:$0x3FAE];
	_ =	sdelay $0x3  }
0x37: {  	[smem:$0x3FAE] =	sst s10  }
0x38: {  	s10 =	sld [smem:$0x3FAF]  }
0x39: {  	_ = 	snop;
	(pc) =	sbr.ind lr, $3  }
0x3a: {  	_ = 	snop  }
0x3b: {  	_ = 	snop  }
0x3c: {  	p2 =	seq.s32 s10, $0x1;
	s10 =	sld [smem:$0x3FAE]  }
0x3d: {  	_ =	shalt  }
0x3e: {  	_ =	shalt  }
0x3f: {  	_ =	shalt  }
0x40: {  	_ =	shalt  }
0x41: {  	_ =	shalt  }
0x42: {  	_ =	shalt  }
0x43: {  	_ =	shalt  }
0x44: {  	_ =	shalt  }
0x45: {  	_ =	shalt  }
0x46: {  	_ =	shalt  }
0x47: {  	_ =	shalt  }
0x48: {  	_ =	shalt  }
0x49: {  	_ =	shalt  }
0x4a: {  	_ =	shalt  }
0x4b: {  	_ =	shalt  }
0x4c: {  	_ =	shalt  }
0x4d: {  	_ =	shalt  }
0x4e: {  	_ =	shalt  }
0x4f: {  	_ =	shalt  }
0x50: {  	_ =	shalt  }
0x51: {  	_ =	shalt  }
0x52: {  	_ =	shalt  }
0x53: {  	_ =	shalt  }
0x54: {  	_ =	shalt  }
0x55: {  	_ =	shalt  }
0x56: {  	_ =	shalt  }
0x57: {  	_ =	shalt  }
0x58: {  	_ =	shalt  }
0x59: {  	_ =	shalt  }
0x5a: {  	_ =	shalt  }
0x5b: {  	_ =	shalt  }
0x5c: {  	_ =	shalt  }
0x5d: {  	_ =	shalt  }
0x5e: {  	_ =	shalt  }
0x5f: {  	_ =	shalt  }
0x60: {  	_ =	shalt  }
0x61: {  	_ =	shalt  }
0x62: {  	_ =	shalt  }
0x63: {  	_ =	shalt  }
0x64: {  	_ =	shalt  }
0x65: {  	_ =	shalt  }
0x66: {  	_ =	shalt  }
0x67: {  	_ =	shalt  }
0x68: {  	_ =	shalt  }
0x69: {  	_ =	shalt  }
0x6a: {  	_ =	shalt  }
0x6b: {  	_ =	shalt  }
0x6c: {  	_ =	shalt  }
0x6d: {  	_ =	shalt  }
0x6e: {  	_ =	shalt  }
0x6f: {  	_ =	shalt  }
0x70: {  	_ =	shalt  }
0x71: {  	_ =	shalt  }
0x72: {  	_ =	shalt  }
0x73: {  	_ =	shalt  }
0x74: {  	_ =	shalt  }
0x75: {  	_ =	shalt  }
0x76: {  	_ =	shalt  }
0x77: {  	_ =	shalt  }
0x78: {  	_ =	shalt  }
0x79: {  	_ =	shalt  }
0x7a: {  	_ =	shalt  }
0x7b: {  	_ =	shalt  }
0x7c: {  	_ =	shalt  }
0x7d: {  	_ =	shalt  }
0x7e: {  	_ =	shalt  }
0x7f: {  	_ =	shalt  }
0x80: {  	_ =	shalt  }
0x81: {  	_ =	shalt  }
0x82: {  	_ =	shalt  }
0x83: {  	_ =	shalt  }
0x84: {  	_ =	shalt  }
0x85: {  	_ =	shalt  }
0x86: {  	_ =	shalt  }
0x87: {  	_ =	shalt  }
.Lfunc_end0:
.L_simem_size_0:
called_computation.1_lowered:
.L_overlay_start_0:
0x88: {  	s2 =	sld [smem:$0x3FD9]  }
0x89: {  	s3 =	sld [smem:$0x3FFE];
	_ =	sdelay $0x1  }
0x8a: {  	s1 =	srdreg.scid  }
0x8b: {  	s0 =	sand.u32 $0x1, s1  }
0x8c: {  	s17 =	sshll.u32 s0, $0xA;
	s2 =	sadd.s32 s3, s2  }
0x8d: {  	s2 =	sadd.s32 s2, s17  }
0x8e: {  	[smem:$0x3FBA] =	sst s2  }
0x8f: {  	_ = 	snop  }
0x90: {  	s2 =	sld [smem:$0x3FD0];
	(tm) =	ssettm $0x1  }
0x91: {  	s18 =	sld [smem:$0x3FFB];
	_ =	sdelay $0x3  }
0x92: {  	_ =	strace s18  }
0x93: {  	s3 =	sld [smem:$0x3FFC];
	_ =	sdelay $0x3  }
0x94: {  	_ =	strace s3  }
0x95: {  	s3 =	sld [smem:$0x3FFD];
	_ =	sdelay $0x3  }
0x96: {  	_ =	strace s3  }
0x97: {  	_ =	strace $0x8FFFFFFF  }
0x98: {  	s19 =	sld [smem:$0x3FDB];
	_ =	sdelay $0x1  }
0x99: {  	s4 =	simm.s32 $_scs_section_size  }
0x9a: {  	s5 =	simm.s32 $_size__tile_overlayer_lowered;
	s6 =	simm.s32 $_tile_overlayer_lowered  }
0x9b: {  	s22 =	simm.s32 $0x1BFF;
	s21 =	sshll.u32 s6, $0x1;
	s3 =	sadd.s32 s4, s19  }
0x9c: {  	s7 =	simm.s32 $0x0;
	s20 =	sshll.u32 s5, $0x1;
	s5 =	sadd.s32 s21, s3  }
0x9d: {  	[timem:s7], [sflag:s22] =	dma.local [hbm:s5], s20  }
0x9e: {  	_ =	swait.ge [sflag:s22], s20  }
0x9f: {  	s4 =	ssub.s32 $0x0, s20;
	[sflag:s22] =	ssyncset.done $0x0  }
0xa0: {  	[sflag:s22] =	ssyncadd.s32 s4;
	_ =	sdelay $0x1  }
0xa1: {  	s23 =	simm.s32 $0x1B8B  }
0xa2: {  	_ =	swait.ge [sflag:s23], $0x1  }
0xa3: {  	[sflag:s23] =	ssyncset.done $0x0  }
0xa4: {  	s25 =	simm.s32 $0x1B8E;
	s24 =	sld [smem:$0x3FFE];
	[sflag:s23] =	ssyncadd.s32 $0xFFFFFFFF  }
0xa5: {  	s26 =	simm.s32 $execute0_lowered;
	[smem:$0x3FD2] =	sst s25  }
0xa6: {  	s5 =	sshll.u32 s26, $0x1;
	_ =	strace $0x8000004C;
	[dreg:$0x1] =	wrdreg $0xFFFFFFFF  }
0xa7: {  	s28 =	simm.s32 $_size_execute0_lowered;
	s3 =	sadd.s32 s3, s5;
	[dreg:$0x0] =	wrdreg $0x0  }
0xa8: {  	s5 =	sshll.u32 s28, $0x1;
	[dreg:$0x2] =	wrdreg s3  }
0xa9: {  	[dreg:$0x3] =	wrdreg s5  }
0xaa: {  	[dreg:$0x4] =	wrdreg $0xC0  }
0xab: {  	_ =	task [dreg:s7], $0x5FFFF  }
0xac: {  	[dreg:$0x1] =	wrdreg $0xFFFFFFFF  }
0xad: {  	[dreg:$0x0] =	wrdreg $0x60  }
0xae: {  	[dreg:$0x2] =	wrdreg s24  }
0xaf: {  	[dreg:$0x3] =	wrdreg s2  }
0xb0: {  	[dreg:$0x4] =	wrdreg $0x9  }
0xb1: {  	_ =	task.clear_ibuf [dreg:s7], $0x5FFFF;
	_ =	strace $0x9000004C  }
0xb2: {  	s29 =	simm.s32 $0x9;
	_ =	strace $0x8000004E  }
0xb3: {  	_ =	swait.ge [sflag:s29], $0x1  }
0xb4: {  	[sflag:s29] =	ssyncadd.s32 $0xFFFFFFFF  }
0xb5: {  	_ =	strace $0x9000004E  }
0xb6: {  	_ =	sfence  }
0xb7: {  	s30 =	sld [smem:$0x0];
	_ =	sdelay $0x2  }
0xb8: {  	s31 =	sshll.u32 s1, $0xD;
	s1 =	sshrl.u32 s1, $0x2  }
0xb9: {  	s3 =	sand.u32 $0x4000, s31;
	s1 =	sadd.s32 s1, s30  }
0xba: {  	s0 =	sor.u32 s3, s0;
	s1 =	sshll.u32 s1, $0x11  }
0xbb: {  	s0 =	sor.u32 s1, s0  }
0xbc: {  	s0 =	sadd.s32 $0x8F2B, s0  }
0xbd: {  	[sflag:s0] =	ssyncadd.remote.s32 $0x1  }
0xbe: {  	_ =	sfence.sel $0xFFFF  }
0xbf: {  	[dreg:$0x0] =	wrdreg $0xFFFFFFFF;
	(pc) =	sbr.abs _section_cstart, $3  }
0xc0: {  	[dreg:$0x1] =	wrdreg $0xFFFFFFFF  }
0xc1: {  	_ =	task.clear_ibuf [dreg:s7], $0x2FFFF;
	_ =	strace $0x9FFFFFFF  }
0xc2: {  	(tm) =	ssettm $0x7FFFFFFF  }
0xc3: {  	_ =	shalt  }
tec
execute0_lowered:
.L_overlay_start_1:
0x0: {  	(tag) =	ssettag $0x1  }
0x1: {  	s7 =	rddreg [dreg:$0x0]  }
0x2: {  	s2 =	rddreg [dreg:$0x1]  }
0x3: {  	s0 =	rddreg [dreg:$0x2]  }
0x4: {  	s1 =	srdreg.scid;
	_ =	strace $0x8000004D;
	s4 =	simm.s32 $0x1  }
0x5: {  	s9 =	simm.s32 $0x3;
	s11 =	simm.s32 $0x0;
	s5 =	sshll.u32 s1, $0x4  }
.Ltmp0:
0x6: {  	s1 =	stileid.u32;
	s5 =	sand.u32 $0x10, s5;
	(pc) =	sbr.rel .LBB2_1-.Ltmp0, $4  }
0x7: {  	p0 =	por $0x0, $0x0;
	s3 =	sadd.s32 $0x202400, s7;
	s6 =	sor.u32 s1, s5  }
0x8: {  	[sflag:s4] =	ssyncpa.u1 $0x0;
	s5 =	simm.s32 $0x2;
	s6 =	sshll.u32 s6, $0x8  }
0x9: {  	s7 =	sadd.s32 $0x102400, s7;
	[sflag:s5] =	ssyncpa.u1 $0x0;
	s8 =	sadd.s32 $0x100, s6  }
0xa: {  	vm0 =	vmmov $0xff;
	vm1 =	vcmask $0x3F20;
	[sflag:s9] =	ssyncpa.u1 $0x0;
	s10 =	smov.u32 s6;
	s9 =	simm.s32 $0x0  }
.LBB2_9:
0xb: {  	p1 =	slt.u32 s9, $0x2;
	s11 =	sadd.s32 $0x20, s10  }
0xc: {  	s13 =	smov.u32 s6;
	s9 =	sadd.s32 $0x1, s9;
	p2 =	slt.s32 s11, s8  }
0xd: {  	s13 =	smov.u32 @p2 s11;
	p2 =	sne.s32 s9, $0xA  }
.Ltmp1:
0xe: {  	_ = 	snop;
	(pc) =	sbr.rel @!p2 .LBB2_10-.Ltmp1, $4  }
0xf: {  	s12 =	simm.s32 @!p1 $0x3  }
0x10: {  	_ =	swait.ge @!p1 [sflag:s12], $0x8000  }
0x11: {  	p0 =	por !p0, !p0;
	[sflag:s12] =	ssyncset.done @!p1 $0x0  }
0x12: {  	s11 =	smov.u32 s10;
	s10 =	smov.u32 s13;
	[sflag:s12] =	ssyncadd.s32 @!p1 $0xFFFF8000  }
.LBB2_1:
0x13: {  	p1 =	sgt.u32 s9, $0x7  }
0x14: {  	s12 =	sxor.u32 @!p1 $0xFFFFFFFF, s9  }
0x15: {  	s13 =	sshrl.u32 @!p1 s10, $0x3;
	s12 =	sshll.u32 @!p1 s12, $0x5  }
0x16: {  	s14 =	sand.u32 @!p1 $0x7, s10;
	s13 =	sadd.s32 @!p1 s2, s13;
	s12 =	sand.u32 @!p1 $0x20, s12  }
0x17: {  	[tilespmem:s12], [sflag:$0x2] =	stream.linear.gather @!p1 [hbm4b:s13+s14], $0x20, $0x38;
	[tilespmem:$0x10040] =	vst v63  }
0x18: {  	p1 =	seq.s32 s9, $0x0  }
0x19: {  	p2 =	seq.s32 @!p1 s9, $0x9  }
0x1a: {  	p1 =	por p1, p2  }
.Ltmp2:
0x1b: {  	_ = 	snop;
	(pc) =	sbr.rel @p1 .LBB2_9-.Ltmp2, $1  }
0x1c: {  	_ =	sdelay $0x3  }
0x1d: {  	s12 =	simm.s32 $0x1  }
0x1e: {  	_ =	swait.ge [sflag:s5], $0x20;
	s13 =	sand.u32 $0x1, s9;
	s12 =	simm.s32 @!p0 $0x0  }
0x1f: {  	s15 =	simm.s32 $0x0;
	p2 =	por $0x1, $0x1;
	s12 =	sshll.u32 s12, $0x11  }
0x20: {  	[sflag:s5] =	ssyncset.done $0x0;
	s13 =	sshll.u32 s13, $0x5;
	s14 =	sshrl.u32 s12, $0x2  }
0x21: {  	[sflag:s5] =	ssyncadd.s32 $0xFFFFFFE0;
	s12 =	sor.u32 $0x40, s14;
	s14 =	sadd.s32 $0x40, s14  }
.LBB2_3:
0x22: {  	s16 =	sshll.u32 s15, $0x4  }
0x23: {  	s16 =	sand.u32 $0x3FFFFFF0, s16  }
0x24: {  	s16 =	sadd.s32 s16, s13  }
0x25: {  	v0 =	vld.msk [tilespmem:s16+$0x0 ss:$0x1], $0xffff;
	_ =	sdelay $0x4  }
0x26: {  	vm2 =	vgt.s32 v0, $0x0  }
0x27: {  	v0 =	vnsel vm2, $0x0, v0  }
0x28: {  	v0 =	vmin.u32 v0, $0x1FFF  }
0x29: {  	v1 =	vshll.u32 v0, $0x7;
	v0 =	vshll.u32 v0, $0x4  }
0x2a: {  	v1 =	vand.u32 $0xFFC00, v1;
	v0 =	vand.u32 $0x70, v0  }
0x2b: {  	v0 =	vor.u32 v0, v1  }
0x2c: {  	s31 =	sshll.u32 s15, $0x10  }
0x2d: {  	s15 =	sshra.s32 s31, $0x2  }
0x2e: {  	s15 =	sadd.s32 s15, s14  }
0x2f: {  	s17 =	sadd.s32 $0x0, s15  }
0x30: {  	[tilespmem:s17], [sflag:$0x1] =	stream.indirect_vreg.gather [hbm:s3], $0x80, v0, vm0, $0x38;
	[tilespmem:$0x10040] =	vst v63  }
0x31: {  	p1 =	por p2, p2;
	s16 =	simm.s32 $0x1000;
	v1 =	vadd.s32 $0x80, v0;
	s17 =	sadd.s32 $0x2000, s17  }
.LBB2_4:
0x32: {  	[tilespmem:s17], [sflag:$0x1] =	stream.indirect_vreg.gather [hbm:s3], $0x80, v0, vm1, $0x38;
	[tilespmem:$0x10040] =	vst v63  }
0x33: {  	v0 =	vmov v1;
	s17 =	smov.u32 s16;
	p2 =	sne.s32 s16, $0x7000  }
.Ltmp3:
0x34: {  	s16 =	sadd.s32 $0x1000, s16;
	(pc) =	sbr.rel @p2 .LBB2_4-.Ltmp3, $4  }
0x35: {  	s17 =	sshra.s32 s17, $0x2  }
0x36: {  	s17 =	sadd.s32 s17, s15  }
0x37: {  	[tilespmem:s17], [sflag:$0x1] =	stream.indirect_vreg.gather [hbm:s3], $0x80, v1, vm0, $0x38;
	[tilespmem:$0x10040] =	vst v63  }
0x38: {  	s17 =	sadd.s32 $0x2000, s17;
	v1 =	vadd.s32 $0x80, v1  }
0x39: {  	_ = 	snop  }
.Ltmp4:
0x3a: {  	_ = 	snop;
	(pc) =	sbr.rel @p1 .LBB2_3-.Ltmp4, $3  }
0x3b: {  	_ =	sdelay $0x1  }
0x3c: {  	[tilespmem:s17], [sflag:$0x1] =	stream.indirect_vreg.gather [hbm:s3], $0x80, v0, vm1, $0x38;
	[tilespmem:$0x10040] =	vst v63  }
0x3d: {  	s15 =	simm.s32 $0x1;
	p2 =	por $0x0, $0x0  }
0x3e: {  	s13 =	sshll.u32 s11, $0x7  }
0x3f: {  	s31 =	sshll.u32 s11, $0x4;
	s13 =	sand.u32 $0xFFFFFC00, s13  }
0x40: {  	_ =	swait.ge [sflag:s4], $0x8000;
	s11 =	sand.u32 $0x70, s31;
	s13 =	sadd.s32 s13, s7  }
0x41: {  	s14 =	sadd.s32 $0x2000, s12;
	[sflag:s4] =	ssyncset.done $0x0;
	s11 =	sadd.s32 s11, s13  }
0x42: {  	[sflag:s4] =	ssyncadd.s32 $0xFFFF8000;
	s13 =	simm.s32 $0x400;
	s15 =	sadd.s32 $0x0, s11  }
.LBB2_7:
0x43: {  	[hbm:s15] =	stream.linear.scatter [tilespmem:s12], [sflag:$0x3], $0x2000, $0x38;
	[tilespmem:$0x10040] =	vst v63  }
0x44: {  	s15 =	smov.u32 s13;
	s12 =	smov.u32 s14;
	p1 =	sne.s32 s13, $0xC00  }
.Ltmp5:
0x45: {  	s13 =	sadd.s32 $0x400, s13;
	(pc) =	sbr.rel @p1 .LBB2_7-.Ltmp5, $2  }
0x46: {  	_ =	sdelay $0x2  }
0x47: {  	s14 =	sadd.s32 $0x2000, s14;
	s15 =	sadd.s32 s15, s11  }
.Ltmp6:
0x48: {  	(pc) =	sbr.rel .LBB2_9-.Ltmp6, $2  }
0x49: {  	_ =	sdelay $0x2  }
0x4a: {  	[hbm:s15] =	stream.linear.scatter [tilespmem:s12], [sflag:$0x3], $0x2000, $0x38;
	[tilespmem:$0x10040] =	vst v63  }
.LBB2_10:
0x4b: {  	_ =	sfence.sel $0x180000  }
0x4c: {  	s2 =	simm.s32 $0x2;
	[bflag:$0x0] =	sbarrier.arrive $0xFFFF  }
0x4d: {  	s30 =	simm.s32 $0x3;
	[sflag:s2] =	ssyncpa.u1 $0x1  }
0x4e: {  	s31 =	simm.s32 $0x1;
	[sflag:s30] =	ssyncpa.u1 $0x1  }
0x4f: {  	[sflag:s31] =	ssyncpa.u1 $0x1  }
0x50: {  	p0 =	sne.s32 s1, $0x0;
	_ =	strace $0x9000004D  }
0x51: {  	s0 =	sadd.s32 @!p0 $0x100000, s0;
	[bflag:$0x2] =	sbarrier.arrive $0xFFFF  }
0x52: {  	[sflag:s0] =	ssyncadd.tile.s32 @!p0 $0x1;
	_ =	shalt  }
.Lfunc_end2:
_tile_overlayer_lowered:
.L_overlay_start_2:
0x53: {  	(tag) =	ssettag $0x2  }
0x54: {  	s0 =	rddreg [dreg:$0x0];
	s2 =	stileid.u32  }
0x55: {  	s1 =	rddreg [dreg:$0x1];
	p0 =	sne.s32 s2, $0x0  }
0x56: {  	s3 =	rddreg [dreg:$0x2];
	[bflag:$0x3] =	sbarrier.arrive $0xFFFF;
	s2 =	simm.s32 @!p0 $0x1C01  }
0x57: {  	[timem:s3], [sflag:s2] =	dma.local @!p0 [hbm:s0], s1  }
0x58: {  	s0 =	simm.s32 @!p0 $0x1  }
0x59: {  	_ =	swait.ge @!p0 [sflag:s0], s1  }
0x5a: {  	s1 =	ssub.s32 @!p0 $0x0, s1;
	[sflag:s0] =	ssyncset.done @!p0 $0x0  }
0x5b: {  	[sflag:s0] =	ssyncadd.s32 @!p0 s1  }
0x5c: {  	[bflag:$0x3] =	sbarrier.arrive $0xFFFF  }
0x5d: {  	_ =	shalt  }

// kernel: sparse-core-data-format-call.cloned.1.call-start
scs
called_computation_lowered:
.L_overlay_start_0:
0x0: {  	s1 =	sld [smem:$0x3FD9]  }
0x1: {  	s2 =	sld [smem:$0x3FFE];
	_ =	sdelay $0x1  }
0x2: {  	s3 =	srdreg.scid  }
0x3: {  	s0 =	sand.u32 $0x1, s3  }
0x4: {  	s17 =	sshll.u32 s0, $0xA;
	s1 =	sadd.s32 s2, s1  }
0x5: {  	s1 =	sadd.s32 s1, s17  }
0x6: {  	[smem:$0x3FBA] =	sst s1  }
0x7: {  	_ = 	snop  }
0x8: {  	(tm) =	ssettm $0x1  }
0x9: {  	s18 =	sld [smem:$0x3FFB];
	_ =	sdelay $0x3  }
0xa: {  	_ =	strace s18  }
0xb: {  	s1 =	sld [smem:$0x3FFC];
	_ =	sdelay $0x3  }
0xc: {  	_ =	strace s1  }
0xd: {  	s1 =	sld [smem:$0x3FFD];
	_ =	sdelay $0x3  }
0xe: {  	_ =	strace s1  }
0xf: {  	_ =	strace $0x8FFFFFFF  }
0x10: {  	s19 =	sld [smem:$0x3FDB];
	_ =	sdelay $0x1  }
0x11: {  	s20 =	simm.s32 $_scs_section_size  }
0x12: {  	s4 =	simm.s32 $_size__tile_overlayer_lowered;
	s5 =	simm.s32 $_tile_overlayer_lowered  }
0x13: {  	s23 =	simm.s32 $0x1BFF;
	s22 =	sshll.u32 s5, $0x1;
	s1 =	sadd.s32 s20, s19  }
0x14: {  	s6 =	simm.s32 $0x0;
	s21 =	sshll.u32 s4, $0x1;
	s4 =	sadd.s32 s22, s1  }
0x15: {  	[timem:s6], [sflag:s23] =	dma.local [hbm:s4], s21  }
0x16: {  	_ =	swait.ge [sflag:s23], s21  }
0x17: {  	s2 =	ssub.s32 $0x0, s21;
	[sflag:s23] =	ssyncset.done $0x0  }
0x18: {  	[sflag:s23] =	ssyncadd.s32 s2;
	_ =	sdelay $0x1  }
0x19: {  	s24 =	simm.s32 $0x1B8B  }
0x1a: {  	_ =	swait.ge [sflag:s24], $0x1  }
0x1b: {  	[sflag:s24] =	ssyncset.done $0x0  }
0x1c: {  	s26 =	simm.s32 $0x1B8E;
	s25 =	sld [smem:$0x3FFE];
	[sflag:s24] =	ssyncadd.s32 $0xFFFFFFFF  }
0x1d: {  	s27 =	simm.s32 $execute0_lowered;
	[smem:$0x3FD2] =	sst s26  }
0x1e: {  	s4 =	sshll.u32 s27, $0x1;
	_ =	strace $0x80000046;
	[dreg:$0x1] =	wrdreg $0xFFFFFFFF  }
0x1f: {  	s28 =	simm.s32 $_size_execute0_lowered;
	s1 =	sadd.s32 s1, s4;
	[dreg:$0x0] =	wrdreg $0x0  }
0x20: {  	s4 =	sshll.u32 s28, $0x1;
	[dreg:$0x2] =	wrdreg s1  }
0x21: {  	[dreg:$0x3] =	wrdreg s4  }
0x22: {  	[dreg:$0x4] =	wrdreg $0xC0  }
0x23: {  	_ =	task [dreg:s6], $0x5FFFF  }
0x24: {  	[dreg:$0x1] =	wrdreg $0xFFFFFFFF  }
0x25: {  	[dreg:$0x0] =	wrdreg $0x60  }
0x26: {  	[dreg:$0x2] =	wrdreg s25  }
0x27: {  	[dreg:$0x3] =	wrdreg $0x9  }
0x28: {  	_ =	task.clear_ibuf [dreg:s6], $0x4FFFF;
	_ =	strace $0x90000046  }
0x29: {  	s29 =	simm.s32 $0x9;
	_ =	strace $0x80000048  }
0x2a: {  	_ =	swait.ge [sflag:s29], $0x1  }
0x2b: {  	[sflag:s29] =	ssyncadd.s32 $0xFFFFFFFF  }
0x2c: {  	_ =	strace $0x90000048  }
0x2d: {  	_ =	sfence  }
0x2e: {  	s30 =	sld [smem:$0x0];
	_ =	sdelay $0x2  }
0x2f: {  	s31 =	sshll.u32 s3, $0xD;
	s3 =	sshrl.u32 s3, $0x2  }
0x30: {  	s2 =	sand.u32 $0x4000, s31;
	s1 =	sadd.s32 s3, s30  }
0x31: {  	s0 =	sor.u32 s2, s0;
	s1 =	sshll.u32 s1, $0x11  }
0x32: {  	s0 =	sor.u32 s1, s0  }
0x33: {  	s0 =	sadd.s32 $0x8F2B, s0  }
0x34: {  	[sflag:s0] =	ssyncadd.remote.s32 $0x1  }
0x35: {  	_ =	sfence.sel $0xFFFF  }
0x36: {  	[dreg:$0x0] =	wrdreg $0xFFFFFFFF;
	(pc) =	sbr.abs _section_cstart, $3  }
0x37: {  	[dreg:$0x1] =	wrdreg $0xFFFFFFFF  }
0x38: {  	_ =	task.clear_ibuf [dreg:s6], $0x2FFFF;
	_ =	strace $0x9FFFFFFF  }
0x39: {  	(tm) =	ssettm $0x7FFFFFFF  }
tec
execute0_lowered:
.L_overlay_start_1:
0x0: {  	(tag) =	ssettag $0x1  }
0x1: {  	s0 =	stileid.u32;
	s1 =	srdreg.scid  }
0x2: {  	s6 =	rddreg [dreg:$0x0];
	s31 =	simm.s32 $0x2;
	s13 =	simm.s32 $0x0  }
0x3: {  	s9 =	simm.s32 $0x40;
	s2 =	sshll.u32 s0, $0x7;
	s1 =	sshll.u32 s1, $0xB  }
0x4: {  	s10 =	simm.s32 $0x80;
	s14 =	simm.s32 $0x0;
	s1 =	sor.u32 s2, s1  }
0x5: {  	s12 =	simm.s32 $0x0;
	s3 =	sand.u32 $0x1, s0;
	s2 =	sand.u32 $0xF00, s1  }
0x6: {  	s5 =	ssub.s32 $0x30, s3;
	s11 =	smov.u32 s3;
	s4 =	ssub.s32 $0x1000, s2  }
0x7: {  	s1 =	rddreg [dreg:$0x1];
	s8 =	sshrl.u32 s5, $0x1;
	s7 =	sand.u32 $0xF00, s4  }
0x8: {  	s5 =	sand.u32 $0x1, s5;
	p0 =	sne.s32 s7, $0x0;
	s7 =	simm.s32 $0x1  }
.Ltmp0:
0x9: {  	s4 =	sshrl.u32 s4, $0xC;
	s7 =	simm.s32 @!p0 $0x0;
	(pc) =	sbr.rel .LBB1_1-.Ltmp0, $4  }
0xa: {  	_ =	strace $0x80000047;
	s5 =	sadd.s32 s5, s8;
	s7 =	sadd.s32 s7, s4  }
0xb: {  	s30 =	sadd.s32 s2, s6;
	s4 =	simm.s32 $0x1;
	s5 =	smul.u32 s5, s7  }
0xc: {  	s6 =	sadd.s32 $0x300000, s6;
	p0 =	por $0x0, $0x0;
	[sflag:s4] =	ssyncpa.u1 $0x0  }
0xd: {  	s7 =	sadd.s32 $0x180000, s30;
	[sflag:s31] =	ssyncpa.u1 $0x0;
	s8 =	sadd.s32 $0x1, s5  }
.LBB1_4:
0xe: {  	_ = 	snop  }
0xf: {  	[tilespmem:s19+$0x1860 ss:$0x41] =	vst.msk $0xffff, v8  }
0x10: {  	[tilespmem:s19+$0x1C70 ss:$0x41] =	vst.msk $0xffff, v7  }
0x11: {  	[tilespmem:s19+$0x2490 ss:$0x41] =	vst.msk $0xffff, v1  }
0x12: {  	s22 =	sor.u32 s25, s24;
	v47 =	vld.idx.msk [tilespmem:v0+s17+$0x470 ss:$0x1], $0xffff;
	[tilespmem:s19+$0x28A0 ss:$0x41] =	vst.msk $0xffff, v2  }
0x13: {  	[tilespmem:s19+$0x2CB0 ss:$0x41] =	vst.msk $0xffff, v3;
	v57 =	vld.idx.msk [tilespmem:v0+s22+$0x410 ss:$0x1], $0xffff  }
0x14: {  	[tilespmem:s19+$0x30C0 ss:$0x41] =	vst.msk $0xffff, v4;
	v58 =	vld.idx.msk [tilespmem:v0+s22+$0x420 ss:$0x1], $0xffff  }
0x15: {  	[tilespmem:s19+$0x34D0 ss:$0x41] =	vst.msk $0xffff, v5;
	v59 =	vld.idx.msk [tilespmem:v0+s22+$0x430 ss:$0x1], $0xffff  }
0x16: {  	s31 =	sshra.s32 s20, $0x2;
	[tilespmem:s19+$0x38E0 ss:$0x41] =	vst.msk $0xffff, v6;
	v60 =	vld.idx.msk [tilespmem:v0+s22+$0x440 ss:$0x1], $0xffff  }
0x17: {  	s23 =	sand.u32 $0x3B00, s22;
	s17 =	sadd.s32 s31, s18;
	v61 =	vld.idx.msk [tilespmem:v0+s22+$0x450 ss:$0x1], $0xffff;
	[tilespmem:s19+$0x3CF0 ss:$0x41] =	vst.msk $0xffff, v47  }
0x18: {  	s21 =	sand.u32 $0x80, s21;
	v62 =	vld.idx.msk [tilespmem:v0+s22+$0x460 ss:$0x1], $0xffff;
	s16 =	sadd.s32 s23, s16;
	[tilespmem:s17+$0x2490 ss:$0x41] =	vst.msk $0xffff, v57  }
0x19: {  	v63 =	vld.idx.msk [tilespmem:v0+s22+$0x470 ss:$0x1], $0xffff;
	s16 =	sadd.s32 s21, s16;
	[tilespmem:s17+$0x28A0 ss:$0x41] =	vst.msk $0xffff, v58  }
0x1a: {  	v48 =	vld [tilespmem:s16+$0x400];
	[tilespmem:s17+$0x2CB0 ss:$0x41] =	vst.msk $0xffff, v59  }
0x1b: {  	v49 =	vld [tilespmem:s16+$0x0];
	[tilespmem:s17+$0x30C0 ss:$0x41] =	vst.msk $0xffff, v60  }
0x1c: {  	v50 =	vld [tilespmem:s16+$0x10];
	[tilespmem:s17+$0x34D0 ss:$0x41] =	vst.msk $0xffff, v61  }
0x1d: {  	v51 =	vld [tilespmem:s16+$0x20];
	[tilespmem:s17+$0x38E0 ss:$0x41] =	vst.msk $0xffff, v62  }
0x1e: {  	v52 =	vld [tilespmem:s16+$0x30];
	[tilespmem:s17+$0x3CF0 ss:$0x41] =	vst.msk $0xffff, v63  }
0x1f: {  	v53 =	vld [tilespmem:s16+$0x40];
	[tilespmem:s17+$0x2080 ss:$0x41] =	vst.msk $0xffff, v48  }
0x20: {  	v54 =	vld [tilespmem:s16+$0x50];
	[tilespmem:s17+$0x0 ss:$0x41] =	vst.msk $0xffff, v49  }
0x21: {  	v55 =	vld [tilespmem:s16+$0x60];
	[tilespmem:s17+$0x410 ss:$0x41] =	vst.msk $0xffff, v50  }
0x22: {  	v56 =	vld [tilespmem:s16+$0x70];
	[tilespmem:s17+$0x820 ss:$0x41] =	vst.msk $0xffff, v51  }
0x23: {  	[tilespmem:s17+$0xC30 ss:$0x41] =	vst.msk $0xffff, v52  }
0x24: {  	[tilespmem:s17+$0x1040 ss:$0x41] =	vst.msk $0xffff, v53  }
0x25: {  	s14 =	sshll.u32 s14, $0x10;
	[tilespmem:s17+$0x1450 ss:$0x41] =	vst.msk $0xffff, v54  }
0x26: {  	s13 =	sshll.u32 s13, $0x4;
	s14 =	sadd.s32 s6, s14;
	[tilespmem:s17+$0x1860 ss:$0x41] =	vst.msk $0xffff, v55  }
0x27: {  	s13 =	sadd.s32 s13, s14;
	[tilespmem:s17+$0x1C70 ss:$0x41] =	vst.msk $0xffff, v56  }
0x28: {  	[hbm4b:s13+s9] =	stream.strided.scatter [tilespmem:s15], [sflag:$0x2], $0x4000, s10, s9, $0x18;
	[tilespmem:$0x10200] =	vst v63  }
.LBB1_5:
0x29: {  	s15 =	sadd.s32 $0x2, s11  }
0x2a: {  	p2 =	sgt.s32 s15, $0x2F  }
0x2b: {  	s15 =	smov.u32 @p2 s3;
	p2 =	sne.s32 s12, s8  }
.Ltmp1:
0x2c: {  	p1 =	slt.u32 s12, $0x2;
	(pc) =	sbr.rel @!p2 .LBB1_6-.Ltmp1, $4  }
0x2d: {  	s13 =	simm.s32 @!p1 $0x2  }
0x2e: {  	s16 =	sadd.s32 $0x1, s12;
	s14 =	smov.u32 s11;
	_ =	swait.ge @!p1 [sflag:s13], $0x4000  }
0x2f: {  	p0 =	por !p0, !p0;
	s12 =	smov.u32 s16;
	[sflag:s13] =	ssyncset.done @!p1 $0x0  }
0x30: {  	s11 =	smov.u32 s15;
	[sflag:s13] =	ssyncadd.s32 @!p1 $0xFFFFC000;
	s13 =	smov.u32 s2  }
.LBB1_1:
0x31: {  	p1 =	sge.u32 s12, s5  }
0x32: {  	s31 =	sadd.s32 $0xFFFFFFFF, s12;
	s15 =	sxor.u32 @!p1 $0xFFFFFFFF, s12  }
0x33: {  	s16 =	sshll.u32 @!p1 s11, $0xF;
	s17 =	simm.s32 @!p1 $0x800;
	s15 =	sshll.u32 @!p1 s15, $0xE  }
0x34: {  	s18 =	simm.s32 @!p1 $0x8000;
	s16 =	sadd.s32 @!p1 s16, s7;
	s15 =	sand.u32 @!p1 $0x4000, s15  }
0x35: {  	[tilespmem:s15], [sflag:$0x1] =	stream.strided.gather @!p1 [hbm4b:s16+s17], $0x4000, s18, s17, $0x38;
	[tilespmem:$0x10200] =	vst v63  }
0x36: {  	p1 =	sge.u32 s31, s5  }
.Ltmp2:
0x37: {  	_ = 	snop;
	(pc) =	sbr.rel @p1 .LBB1_5-.Ltmp2, $1  }
0x38: {  	_ =	sdelay $0x3  }
0x39: {  	s18 =	simm.s32 $0x0  }
0x3a: {  	s17 =	sand.u32 $0x3800, s18;
	s19 =	sand.u32 $0x380, s18  }
0x3b: {  	s15 =	sand.u32 $0x1, s12;
	s17 =	sor.u32 s19, s17  }
0x3c: {  	_ =	swait.ge [sflag:s4], $0x4000;
	s16 =	sshll.u32 s15, $0xE;
	s19 =	sand.u32 $0x3B00, s17  }
0x3d: {  	[sflag:s4] =	ssyncset.done $0x0;
	s18 =	sand.u32 $0x80, s18;
	s19 =	sadd.s32 s19, s16  }
0x3e: {  	[sflag:s4] =	ssyncadd.s32 $0xFFFFC000;
	s21 =	sadd.s32 s18, s19  }
0x3f: {  	v4 =	vld [tilespmem:s21+$0x400]  }
0x40: {  	s20 =	simm.s32 $0x1;
	v5 =	vld [tilespmem:s21+$0x0]  }
0x41: {  	s20 =	simm.s32 @!p0 $0x0;
	v6 =	vld [tilespmem:s21+$0x10]  }
0x42: {  	v0 =	vmov s16;
	s31 =	smul.u32 $0x10400, s20;
	v7 =	vld [tilespmem:s21+$0x20]  }
0x43: {  	v9 =	vld [tilespmem:s21+$0x30]  }
0x44: {  	s18 =	sshrl.u32 s31, $0x2;
	v10 =	vld [tilespmem:s21+$0x40]  }
0x45: {  	s18 =	sor.u32 $0x8000, s18;
	v11 =	vld [tilespmem:s21+$0x50]  }
0x46: {  	v8 =	vld [tilespmem:s21+$0x60];
	s19 =	sadd.s32 $0x0, s18  }
0x47: {  	v1 =	vld.idx.msk [tilespmem:v0+s17+$0x410 ss:$0x1], $0xffff;
	[tilespmem:s19+$0x2080 ss:$0x41] =	vst.msk $0xffff, v4  }
0x48: {  	v2 =	vld.idx.msk [tilespmem:v0+s17+$0x420 ss:$0x1], $0xffff;
	[tilespmem:s19+$0x0 ss:$0x41] =	vst.msk $0xffff, v5  }
0x49: {  	v3 =	vld.idx.msk [tilespmem:v0+s17+$0x430 ss:$0x1], $0xffff;
	[tilespmem:s19+$0x410 ss:$0x41] =	vst.msk $0xffff, v6  }
0x4a: {  	s15 =	smul.u32 $0x10400, s15;
	[tilespmem:s19+$0x820 ss:$0x41] =	vst.msk $0xffff, v7;
	v7 =	vld [tilespmem:s21+$0x70]  }
0x4b: {  	s22 =	simm.s32 $0x100;
	s23 =	simm.s32 $0x8;
	[tilespmem:s19+$0xC30 ss:$0x41] =	vst.msk $0xffff, v9;
	v4 =	vld.idx.msk [tilespmem:v0+s17+$0x440 ss:$0x1], $0xffff  }
0x4c: {  	s24 =	sand.u32 $0x3800, s22;
	s15 =	sshrl.u32 s15, $0x2;
	[tilespmem:s19+$0x1040 ss:$0x41] =	vst.msk $0xffff, v10;
	v5 =	vld.idx.msk [tilespmem:v0+s17+$0x450 ss:$0x1], $0xffff;
	s21 =	simm.s32 $0x80  }
0x4d: {  	s20 =	simm.s32 $0x4;
	s15 =	sor.u32 $0x8000, s15;
	[tilespmem:s19+$0x1450 ss:$0x41] =	vst.msk $0xffff, v11;
	v6 =	vld.idx.msk [tilespmem:v0+s17+$0x460 ss:$0x1], $0xffff;
	s25 =	sand.u32 $0x380, s21  }
.LBB1_3:
0x4e: {  	p1 =	sne.s32 s23, $0xFC;
	[tilespmem:s19+$0x1860 ss:$0x41] =	vst.msk $0xffff, v8;
	v8 =	vld.idx.msk [tilespmem:v0+s17+$0x470 ss:$0x1], $0xffff;
	s17 =	sor.u32 s25, s24  }
0x4f: {  	s24 =	sand.u32 $0x3B00, s17;
	v9 =	vld.idx.msk [tilespmem:v0+s17+$0x410 ss:$0x1], $0xffff;
	[tilespmem:s19+$0x1C70 ss:$0x41] =	vst.msk $0xffff, v7  }
0x50: {  	s25 =	sand.u32 $0x80, s21;
	s24 =	sadd.s32 s24, s16;
	v7 =	vld.idx.msk [tilespmem:v0+s17+$0x420 ss:$0x1], $0xffff;
	[tilespmem:s19+$0x2490 ss:$0x41] =	vst.msk $0xffff, v1  }
0x51: {  	s24 =	sadd.s32 s25, s24;
	v10 =	vld.idx.msk [tilespmem:v0+s17+$0x430 ss:$0x1], $0xffff;
	[tilespmem:s19+$0x28A0 ss:$0x41] =	vst.msk $0xffff, v2  }
0x52: {  	v11 =	vld [tilespmem:s24+$0x400];
	[tilespmem:s19+$0x2CB0 ss:$0x41] =	vst.msk $0xffff, v3  }
0x53: {  	v12 =	vld [tilespmem:s24+$0x0];
	[tilespmem:s19+$0x30C0 ss:$0x41] =	vst.msk $0xffff, v4  }
0x54: {  	v4 =	vld [tilespmem:s24+$0x10];
	[tilespmem:s19+$0x34D0 ss:$0x41] =	vst.msk $0xffff, v5  }
0x55: {  	s25 =	sshra.s32 s20, $0x2;
	s20 =	smov.u32 s23;
	v1 =	vmov v9;
	v5 =	vld [tilespmem:s24+$0x20];
	[tilespmem:s19+$0x38E0 ss:$0x41] =	vst.msk $0xffff, v6  }
0x56: {  	v2 =	vmov v7;
	v6 =	vld [tilespmem:s24+$0x30];
	[tilespmem:s19+$0x3CF0 ss:$0x41] =	vst.msk $0xffff, v8;
	s19 =	sadd.s32 s25, s18  }
0x57: {  	v3 =	vmov v10;
	v9 =	vld [tilespmem:s24+$0x40];
	[tilespmem:s19+$0x2080 ss:$0x41] =	vst.msk $0xffff, v11  }
0x58: {  	[tilespmem:s19+$0x0 ss:$0x41] =	vst.msk $0xffff, v12;
	v10 =	vld [tilespmem:s24+$0x50]  }
.Ltmp3:
0x59: {  	[tilespmem:s19+$0x410 ss:$0x41] =	vst.msk $0xffff, v4;
	v8 =	vld [tilespmem:s24+$0x60];
	(pc) =	sbr.rel @p1 .LBB1_3-.Ltmp3, $4  }
0x5a: {  	[tilespmem:s19+$0x820 ss:$0x41] =	vst.msk $0xffff, v5;
	v7 =	vld [tilespmem:s24+$0x70]  }
0x5b: {  	[tilespmem:s19+$0xC30 ss:$0x41] =	vst.msk $0xffff, v6;
	v4 =	vld.idx.msk [tilespmem:v0+s17+$0x440 ss:$0x1], $0xffff  }
0x5c: {  	s21 =	sadd.s32 $0x80, s21;
	s22 =	sadd.s32 $0x100, s22;
	[tilespmem:s19+$0x1040 ss:$0x41] =	vst.msk $0xffff, v9;
	v5 =	vld.idx.msk [tilespmem:v0+s17+$0x450 ss:$0x1], $0xffff  }
0x5d: {  	s23 =	sadd.s32 $0x4, s23;
	s25 =	sand.u32 $0x380, s21;
	s24 =	sand.u32 $0x3800, s22;
	[tilespmem:s19+$0x1450 ss:$0x41] =	vst.msk $0xffff, v10;
	v6 =	vld.idx.msk [tilespmem:v0+s17+$0x460 ss:$0x1], $0xffff  }
.Ltmp4:
0x5e: {  	_ = 	snop;
	(pc) =	sbr.rel .LBB1_4-.Ltmp4, $1  }
0x5f: {  	_ =	sdelay $0x3  }
.LBB1_6:
0x60: {  	_ =	sfence.sel $0x180000  }
0x61: {  	s2 =	simm.s32 $0x1;
	[bflag:$0x0] =	sbarrier.arrive $0xFFFF  }
0x62: {  	s31 =	simm.s32 $0x2;
	[sflag:s2] =	ssyncpa.u1 $0x1  }
0x63: {  	[sflag:s31] =	ssyncpa.u1 $0x1  }
0x64: {  	p0 =	sne.s32 s0, $0x0;
	_ =	strace $0x90000047  }
0x65: {  	s0 =	sadd.s32 @!p0 $0x100000, s1;
	[bflag:$0x2] =	sbarrier.arrive $0xFFFF  }
0x66: {  	[sflag:s0] =	ssyncadd.tile.s32 @!p0 $0x1;
	_ =	shalt  }
.Lfunc_end1:
_tile_overlayer_lowered:
.L_overlay_start_2:
0x67: {  	(tag) =	ssettag $0x2  }
0x68: {  	s0 =	rddreg [dreg:$0x0];
	s2 =	stileid.u32  }
0x69: {  	s1 =	rddreg [dreg:$0x1];
	p0 =	sne.s32 s2, $0x0  }
0x6a: {  	s3 =	rddreg [dreg:$0x2];
	[bflag:$0x3] =	sbarrier.arrive $0xFFFF;
	s2 =	simm.s32 @!p0 $0x1C01  }
0x6b: {  	[timem:s3], [sflag:s2] =	dma.local @!p0 [hbm:s0], s1  }
0x6c: {  	s0 =	simm.s32 @!p0 $0x1  }
0x6d: {  	_ =	swait.ge @!p0 [sflag:s0], s1  }
0x6e: {  	s1 =	ssub.s32 @!p0 $0x0, s1;
	[sflag:s0] =	ssyncset.done @!p0 $0x0  }
0x6f: {  	[sflag:s0] =	ssyncadd.s32 @!p0 s1  }
0x70: {  	[bflag:$0x3] =	sbarrier.arrive $0xFFFF  }
0x71: {  	_ =	shalt  }

</sc_bundles>
